<compile_context>
chip_gen: v7x
topology: tpu7x:2x2x1
jax: 0.10.2.dev20260603
libtpu: 0.0.44.dev20260713+nightly
codegen_flags: <defaults>
</compile_context>

<pallas_src>
import functools

import jax
import jax.numpy as jnp
from jax import lax
from jax.experimental import pallas as pl
from jax.experimental.pallas import tpu as pltpu
from jax.experimental.pallas import tpu_sc as plsc

N = 256
FEAT = 128
LATENT = 256
NF = 5
VTOT = 48
BI = 4



def _sc_gather(tables, ids):
    info = plsc.get_sparse_core_info()
    nw = info.num_subcores
    rpw = N // nw
    mesh = plsc.VectorSubcoreMesh(core_axis_name="c", subcore_axis_name="s",
                                  num_cores=1)

    @functools.partial(
        pl.kernel,
        mesh=mesh,
        out_type=jax.ShapeDtypeStruct((NF, N, FEAT), jnp.float32),
        scratch_types=[
            [pltpu.VMEM((rpw,), jnp.int32) for _ in range(NF)],
            [pltpu.VMEM((rpw, FEAT), jnp.float32) for _ in range(NF)],
            pltpu.SemaphoreType.DMA,
        ],
    )
    def gather_kernel(t0, t1, t2, t3, t4, i0, i1, i2, i3, i4, out_hbm,
                      idx_vs, rows_vs, sem):
        tabs = (t0, t1, t2, t3, t4)
        idhs = (i0, i1, i2, i3, i4)
        wid = lax.axis_index("s")
        base = wid * rpw
        loads = [pltpu.async_copy(idhs[f].at[pl.ds(base, rpw)], idx_vs[f], sem)
                 for f in range(NF)]
        for c in loads:
            c.wait()
        gathers = [pltpu.async_copy(tabs[f].at[idx_vs[f]], rows_vs[f], sem)
                   for f in range(NF)]
        for c in gathers:
            c.wait()
        stores = [pltpu.async_copy(rows_vs[f], out_hbm.at[f, pl.ds(base, rpw)],
                                   sem)
                  for f in range(NF)]
        for c in stores:
            c.wait()

    return gather_kernel(*tables, *ids)



def _dot_t(x, w):
    return lax.dot_general(x, w, (((1,), (1,)), ((), ())),
                           preferred_element_type=jnp.float32)


def _tc_body(embs_ref, w0, w1, w2, w3, w4, b0, b1, b2, b3, b4,
             o0, o1, o2, o3, o4, a_ref, ee_ref, w23_ref):
    i = pl.program_id(0)
    ws = (w0, w1, w2, w3, w4)
    bs = (b0, b1, b2, b3, b4)

    @pl.when(i == 0)
    def _():
        for f in range(NF):
            e = embs_ref[f]
            a_ref[f] = _dot_t(e, ws[f][:, 0:FEAT]) + bs[f][...]
            ee_ref[f] = jnp.concatenate([e, e], axis=1).astype(jnp.bfloat16)
            w23_ref[f] = jnp.concatenate(
                [ws[f][:, 2 * FEAT:3 * FEAT],
                 ws[f][:, FEAT:2 * FEAT]], axis=1).astype(jnp.bfloat16)

    outs = (o0, o1, o2, o3, o4)
    ones = jnp.ones((1, FEAT), jnp.bfloat16)
    for f in range(NF):
        for ii in range(BI):
            r = i * BI + ii
            row = embs_ref[f, pl.ds(r, 1), :].astype(jnp.bfloat16)
            rowext = jnp.concatenate([row, ones], axis=1)
            lhs = ee_ref[f] * rowext
            m = _dot_t(lhs, w23_ref[f])
            a_row = a_ref[f, pl.ds(r, 1), :]
            outs[f][pl.ds(ii * N, N), :] = jnp.maximum(m + a_row, 0.0)


def _tc_encode(embs_all, ws, bs, interpret=False):
    out_sd = jax.ShapeDtypeStruct((N * N, LATENT), jnp.float32)
    full = lambda shape: pl.BlockSpec(shape, lambda i: tuple(0 for _ in shape))
    return pl.pallas_call(
        _tc_body,
        grid=(N // BI,),
        in_specs=[full((NF, N, FEAT))]
        + [full((LATENT, 3 * FEAT))] * NF
        + [full((1, LATENT))] * NF,
        out_specs=[pl.BlockSpec((BI * N, LATENT), lambda i: (i, 0))] * NF,
        out_shape=[out_sd] * NF,
        scratch_shapes=[
            pltpu.VMEM((NF, N, LATENT), jnp.float32),
            pltpu.VMEM((NF, N, 2 * FEAT), jnp.bfloat16),
            pltpu.VMEM((NF, LATENT, 2 * FEAT), jnp.bfloat16),
        ],
        compiler_params=pltpu.CompilerParams(
            dimension_semantics=("arbitrary",),
        ),
        interpret=interpret,
    )(embs_all, *ws, *bs)



def kernel(typ_ids, typ_table, typ_W, typ_b,
           pol_ids, pol_table, pol_W, pol_b,
           mod_ids, mod_table, mod_W, mod_b,
           gen_ids, gen_table, gen_W, gen_b,
           ten_ids, ten_table, ten_W, ten_b):
    tables = (typ_table, pol_table, mod_table, gen_table, ten_table)
    ids = (typ_ids, pol_ids, mod_ids, gen_ids, ten_ids)

    embs_all = _sc_gather(tables, ids)

    ws = (typ_W, pol_W, mod_W, gen_W, ten_W)
    bs = tuple(b.reshape(1, LATENT) for b in (typ_b, pol_b, mod_b, gen_b, ten_b))

    return tuple(_tc_encode(embs_all, ws, bs))

# --- scband reference (transcript-rebuilt; emitter-appended) ---
"""Pipeline reference for scband-symbolic-features-encoder-17033840295949 (READ-ONLY COPY).

The authoritative reference and input builder live on the scoring server;
editing this copy changes nothing except your own understanding.
"""

import jax, jax.numpy as jnp
import numpy as np

N_EVENTS = 256
FEAT = 128
LATENT = 256
VOCABS = [("typ", 33), ("pol", 2), ("mod", 2), ("gen", 2), ("ten", 4)]


def get_pair_embs(embs):
    # pair_embs[i, j] = concat(embs[i], embs[j], embs[i] * embs[j])
    n, d = embs.shape
    a = jnp.broadcast_to(embs[None, :, :], (n, n, d))  # embs[j]
    b = jnp.broadcast_to(embs[:, None, :], (n, n, d))  # embs[i]
    pair = jnp.concatenate([b, a, b * a], axis=2)
    return pair.reshape(n * n, 3 * d)


def setup_inputs(seed: int = 0):
    key = jax.random.key(seed)
    inp = {}
    for i, (name, V) in enumerate(VOCABS):
        inp[name + "_ids"] = jax.random.randint(jax.random.fold_in(key, 4 * i), (N_EVENTS,), 0, V)
        # original code re-initializes embedding weights with uniform(-0.5, 0.5)
        inp[name + "_table"] = jax.random.uniform(jax.random.fold_in(key, 4 * i + 1), (V, FEAT), minval=-0.5, maxval=0.5, dtype=jnp.float32)
        inp[name + "_W"] = jax.random.normal(jax.random.fold_in(key, 4 * i + 2), (LATENT, 3 * FEAT), dtype=jnp.float32) * 0.02
        inp[name + "_b"] = jnp.zeros((LATENT,), dtype=jnp.float32)
    return inp


def _feature(ids, table, W, b):
    embs = jnp.take(table, ids, axis=0)  # embedding lookup
    pair = get_pair_embs(embs)           # [N*N, 3*FEAT]
    return jax.nn.relu(pair @ W.T + b)   # [N*N, LATENT]


def reference(typ_ids, typ_table, typ_W, typ_b,
              pol_ids, pol_table, pol_W, pol_b,
              mod_ids, mod_table, mod_W, mod_b,
              gen_ids, gen_table, gen_W, gen_b,
              ten_ids, ten_table, ten_W, ten_b):
    # forward returns the list of enabled latent features (all 5 enabled)
    return (
        _feature(typ_ids, typ_table, typ_W, typ_b),
        _feature(pol_ids, pol_table, pol_W, pol_b),
        _feature(mod_ids, mod_table, mod_W, mod_b),
        _feature(gen_ids, gen_table, gen_W, gen_b),
        _feature(ten_ids, ten_table, ten_W, ten_b),
    )

if __name__ == "__main__":
    import jax
    _d = setup_inputs()
    print(jax.jit(kernel)(*tuple(_d.values())))

</pallas_src>

<mosaic_0001>
#map = affine_map<(d0, d1) -> (0, 0)>
#map1 = affine_map<(d0, d1) -> (0)>
#map2 = affine_map<(d0, d1) -> (0, 0, 0)>
module attributes {stable_mosaic.version = 14 : i64} {
  func.func @gather_kernel(%arg0: i32, %arg1: i32, %arg2: memref<33x128xf32, #tpu.memory_space<hbm>>, %arg3: memref<2x128xf32, #tpu.memory_space<hbm>>, %arg4: memref<2x128xf32, #tpu.memory_space<hbm>>, %arg5: memref<2x128xf32, #tpu.memory_space<hbm>>, %arg6: memref<4x128xf32, #tpu.memory_space<hbm>>, %arg7: memref<256xi32, #tpu.memory_space<hbm>>, %arg8: memref<256xi32, #tpu.memory_space<hbm>>, %arg9: memref<256xi32, #tpu.memory_space<hbm>>, %arg10: memref<256xi32, #tpu.memory_space<hbm>>, %arg11: memref<256xi32, #tpu.memory_space<hbm>>, %arg12: memref<5x256x128xf32, #tpu.memory_space<hbm>>, %arg13: memref<16xi32, #tpu.memory_space<vmem>>, %arg14: memref<16xi32, #tpu.memory_space<vmem>>, %arg15: memref<16xi32, #tpu.memory_space<vmem>>, %arg16: memref<16xi32, #tpu.memory_space<vmem>>, %arg17: memref<16xi32, #tpu.memory_space<vmem>>, %arg18: memref<16x128xf32, #tpu.memory_space<vmem>>, %arg19: memref<16x128xf32, #tpu.memory_space<vmem>>, %arg20: memref<16x128xf32, #tpu.memory_space<vmem>>, %arg21: memref<16x128xf32, #tpu.memory_space<vmem>>, %arg22: memref<16x128xf32, #tpu.memory_space<vmem>>, %arg23: memref<!tpu.dma_semaphore, #tpu.memory_space<semaphore_mem>>) attributes {dimension_semantics = [#tpu.dimension_semantics<core_parallel>, #tpu.dimension_semantics<subcore_parallel>], iteration_bounds = array<i64: 1, 16>, scalar_prefetch = 0 : i64, scratch_operands = 11 : i64, tpu.core_type = #tpu.core_type<sc_vector_subcore>, window_params = [{transform_indices = #map}, {transform_indices = #map}, {transform_indices = #map}, {transform_indices = #map}, {transform_indices = #map}, {transform_indices = #map1}, {transform_indices = #map1}, {transform_indices = #map1}, {transform_indices = #map1}, {transform_indices = #map1}, {transform_indices = #map2}]} {
    %mul3A = arith.constant 16 : i32
    %mul3A_0 = arith.muli %arg1, %mul3A : i32
    %dma_start3A = tpu.memref_slice %arg7[%mul3A_0] : memref<256xi32, #tpu.memory_space<hbm>> -> memref<16xi32, #tpu.memory_space<hbm>>
    %dma_start3A_1 = tpu.memref_slice %arg7[%mul3A_0] : memref<256xi32, #tpu.memory_space<hbm>> -> memref<16xi32, #tpu.memory_space<hbm>>
    tpu.enqueue_dma source(%dma_start3A_1 : memref<16xi32, #tpu.memory_space<hbm>>) target(%arg13 : memref<16xi32, #tpu.memory_space<vmem>>) target_semaphore(%arg23 : memref<!tpu.dma_semaphore, #tpu.memory_space<semaphore_mem>>)
    %dma_start3A_2 = tpu.memref_slice %arg8[%mul3A_0] : memref<256xi32, #tpu.memory_space<hbm>> -> memref<16xi32, #tpu.memory_space<hbm>>
    %dma_start3A_3 = tpu.memref_slice %arg8[%mul3A_0] : memref<256xi32, #tpu.memory_space<hbm>> -> memref<16xi32, #tpu.memory_space<hbm>>
    tpu.enqueue_dma source(%dma_start3A_3 : memref<16xi32, #tpu.memory_space<hbm>>) target(%arg14 : memref<16xi32, #tpu.memory_space<vmem>>) target_semaphore(%arg23 : memref<!tpu.dma_semaphore, #tpu.memory_space<semaphore_mem>>)
    %dma_start3A_4 = tpu.memref_slice %arg9[%mul3A_0] : memref<256xi32, #tpu.memory_space<hbm>> -> memref<16xi32, #tpu.memory_space<hbm>>
    %dma_start3A_5 = tpu.memref_slice %arg9[%mul3A_0] : memref<256xi32, #tpu.memory_space<hbm>> -> memref<16xi32, #tpu.memory_space<hbm>>
    tpu.enqueue_dma source(%dma_start3A_5 : memref<16xi32, #tpu.memory_space<hbm>>) target(%arg15 : memref<16xi32, #tpu.memory_space<vmem>>) target_semaphore(%arg23 : memref<!tpu.dma_semaphore, #tpu.memory_space<semaphore_mem>>)
    %dma_start3A_6 = tpu.memref_slice %arg10[%mul3A_0] : memref<256xi32, #tpu.memory_space<hbm>> -> memref<16xi32, #tpu.memory_space<hbm>>
    %dma_start3A_7 = tpu.memref_slice %arg10[%mul3A_0] : memref<256xi32, #tpu.memory_space<hbm>> -> memref<16xi32, #tpu.memory_space<hbm>>
    tpu.enqueue_dma source(%dma_start3A_7 : memref<16xi32, #tpu.memory_space<hbm>>) target(%arg16 : memref<16xi32, #tpu.memory_space<vmem>>) target_semaphore(%arg23 : memref<!tpu.dma_semaphore, #tpu.memory_space<semaphore_mem>>)
    %dma_start3A_8 = tpu.memref_slice %arg11[%mul3A_0] : memref<256xi32, #tpu.memory_space<hbm>> -> memref<16xi32, #tpu.memory_space<hbm>>
    %dma_start3A_9 = tpu.memref_slice %arg11[%mul3A_0] : memref<256xi32, #tpu.memory_space<hbm>> -> memref<16xi32, #tpu.memory_space<hbm>>
    tpu.enqueue_dma source(%dma_start3A_9 : memref<16xi32, #tpu.memory_space<hbm>>) target(%arg17 : memref<16xi32, #tpu.memory_space<vmem>>) target_semaphore(%arg23 : memref<!tpu.dma_semaphore, #tpu.memory_space<semaphore_mem>>)
    %dma_wait3A = tpu.memref_slice %arg7[%mul3A_0] : memref<256xi32, #tpu.memory_space<hbm>> -> memref<16xi32, #tpu.memory_space<hbm>>
    %dma_wait3A_10 = tpu.memref_slice %arg7[%mul3A_0] : memref<256xi32, #tpu.memory_space<hbm>> -> memref<16xi32, #tpu.memory_space<hbm>>
    tpu.wait_dma2 semaphore(%arg23 : memref<!tpu.dma_semaphore, #tpu.memory_space<semaphore_mem>>) src(%dma_wait3A_10 : memref<16xi32, #tpu.memory_space<hbm>>) dst(%arg13 : memref<16xi32, #tpu.memory_space<vmem>>)
    %dma_wait3A_11 = tpu.memref_slice %arg8[%mul3A_0] : memref<256xi32, #tpu.memory_space<hbm>> -> memref<16xi32, #tpu.memory_space<hbm>>
    %dma_wait3A_12 = tpu.memref_slice %arg8[%mul3A_0] : memref<256xi32, #tpu.memory_space<hbm>> -> memref<16xi32, #tpu.memory_space<hbm>>
    tpu.wait_dma2 semaphore(%arg23 : memref<!tpu.dma_semaphore, #tpu.memory_space<semaphore_mem>>) src(%dma_wait3A_12 : memref<16xi32, #tpu.memory_space<hbm>>) dst(%arg14 : memref<16xi32, #tpu.memory_space<vmem>>)
    %dma_wait3A_13 = tpu.memref_slice %arg9[%mul3A_0] : memref<256xi32, #tpu.memory_space<hbm>> -> memref<16xi32, #tpu.memory_space<hbm>>
    %dma_wait3A_14 = tpu.memref_slice %arg9[%mul3A_0] : memref<256xi32, #tpu.memory_space<hbm>> -> memref<16xi32, #tpu.memory_space<hbm>>
    tpu.wait_dma2 semaphore(%arg23 : memref<!tpu.dma_semaphore, #tpu.memory_space<semaphore_mem>>) src(%dma_wait3A_14 : memref<16xi32, #tpu.memory_space<hbm>>) dst(%arg15 : memref<16xi32, #tpu.memory_space<vmem>>)
    %dma_wait3A_15 = tpu.memref_slice %arg10[%mul3A_0] : memref<256xi32, #tpu.memory_space<hbm>> -> memref<16xi32, #tpu.memory_space<hbm>>
    %dma_wait3A_16 = tpu.memref_slice %arg10[%mul3A_0] : memref<256xi32, #tpu.memory_space<hbm>> -> memref<16xi32, #tpu.memory_space<hbm>>
    tpu.wait_dma2 semaphore(%arg23 : memref<!tpu.dma_semaphore, #tpu.memory_space<semaphore_mem>>) src(%dma_wait3A_16 : memref<16xi32, #tpu.memory_space<hbm>>) dst(%arg16 : memref<16xi32, #tpu.memory_space<vmem>>)
    %dma_wait3A_17 = tpu.memref_slice %arg11[%mul3A_0] : memref<256xi32, #tpu.memory_space<hbm>> -> memref<16xi32, #tpu.memory_space<hbm>>
    %dma_wait3A_18 = tpu.memref_slice %arg11[%mul3A_0] : memref<256xi32, #tpu.memory_space<hbm>> -> memref<16xi32, #tpu.memory_space<hbm>>
    tpu.wait_dma2 semaphore(%arg23 : memref<!tpu.dma_semaphore, #tpu.memory_space<semaphore_mem>>) src(%dma_wait3A_18 : memref<16xi32, #tpu.memory_space<hbm>>) dst(%arg17 : memref<16xi32, #tpu.memory_space<vmem>>)
    %dma_start3A_19 = arith.constant 0 : i32
    %dma_start3A_20 = arith.constant 0 : i32
    %dma_start3A_21 = tpu.memref_slice %arg2[%dma_start3A_19, %dma_start3A_20] : memref<33x128xf32, #tpu.memory_space<hbm>> -> memref<33x128xf32, #tpu.memory_space<hbm>>
    tpu.enqueue_indirect_dma source(%dma_start3A_21 : memref<33x128xf32, #tpu.memory_space<hbm>>) target(%arg18 : memref<16x128xf32, #tpu.memory_space<vmem>>) offsets(%arg13 : memref<16xi32, #tpu.memory_space<vmem>>) semaphore(%arg23 : memref<!tpu.dma_semaphore, #tpu.memory_space<semaphore_mem>>)
    %dma_start3A_22 = arith.constant 0 : i32
    %dma_start3A_23 = arith.constant 0 : i32
    %dma_start3A_24 = tpu.memref_slice %arg3[%dma_start3A_22, %dma_start3A_23] : memref<2x128xf32, #tpu.memory_space<hbm>> -> memref<2x128xf32, #tpu.memory_space<hbm>>
    tpu.enqueue_indirect_dma source(%dma_start3A_24 : memref<2x128xf32, #tpu.memory_space<hbm>>) target(%arg19 : memref<16x128xf32, #tpu.memory_space<vmem>>) offsets(%arg14 : memref<16xi32, #tpu.memory_space<vmem>>) semaphore(%arg23 : memref<!tpu.dma_semaphore, #tpu.memory_space<semaphore_mem>>)
    %dma_start3A_25 = arith.constant 0 : i32
    %dma_start3A_26 = arith.constant 0 : i32
    %dma_start3A_27 = tpu.memref_slice %arg4[%dma_start3A_25, %dma_start3A_26] : memref<2x128xf32, #tpu.memory_space<hbm>> -> memref<2x128xf32, #tpu.memory_space<hbm>>
    tpu.enqueue_indirect_dma source(%dma_start3A_27 : memref<2x128xf32, #tpu.memory_space<hbm>>) target(%arg20 : memref<16x128xf32, #tpu.memory_space<vmem>>) offsets(%arg15 : memref<16xi32, #tpu.memory_space<vmem>>) semaphore(%arg23 : memref<!tpu.dma_semaphore, #tpu.memory_space<semaphore_mem>>)
    %dma_start3A_28 = arith.constant 0 : i32
    %dma_start3A_29 = arith.constant 0 : i32
    %dma_start3A_30 = tpu.memref_slice %arg5[%dma_start3A_28, %dma_start3A_29] : memref<2x128xf32, #tpu.memory_space<hbm>> -> memref<2x128xf32, #tpu.memory_space<hbm>>
    tpu.enqueue_indirect_dma source(%dma_start3A_30 : memref<2x128xf32, #tpu.memory_space<hbm>>) target(%arg21 : memref<16x128xf32, #tpu.memory_space<vmem>>) offsets(%arg16 : memref<16xi32, #tpu.memory_space<vmem>>) semaphore(%arg23 : memref<!tpu.dma_semaphore, #tpu.memory_space<semaphore_mem>>)
    %dma_start3A_31 = arith.constant 0 : i32
    %dma_start3A_32 = arith.constant 0 : i32
    %dma_start3A_33 = tpu.memref_slice %arg6[%dma_start3A_31, %dma_start3A_32] : memref<4x128xf32, #tpu.memory_space<hbm>> -> memref<4x128xf32, #tpu.memory_space<hbm>>
    tpu.enqueue_indirect_dma source(%dma_start3A_33 : memref<4x128xf32, #tpu.memory_space<hbm>>) target(%arg22 : memref<16x128xf32, #tpu.memory_space<vmem>>) offsets(%arg17 : memref<16xi32, #tpu.memory_space<vmem>>) semaphore(%arg23 : memref<!tpu.dma_semaphore, #tpu.memory_space<semaphore_mem>>)
    %dma_wait3A_34 = arith.constant 0 : i32
    %dma_wait3A_35 = arith.constant 0 : i32
    %dma_wait3A_36 = tpu.memref_slice %arg2[%dma_wait3A_34, %dma_wait3A_35] : memref<33x128xf32, #tpu.memory_space<hbm>> -> memref<33x128xf32, #tpu.memory_space<hbm>>
    tpu.wait_indirect_dma semaphore(%arg23 : memref<!tpu.dma_semaphore, #tpu.memory_space<semaphore_mem>>) src(%dma_wait3A_36 : memref<33x128xf32, #tpu.memory_space<hbm>>) dst(%arg18 : memref<16x128xf32, #tpu.memory_space<vmem>>)
    %dma_wait3A_37 = arith.constant 0 : i32
    %dma_wait3A_38 = arith.constant 0 : i32
    %dma_wait3A_39 = tpu.memref_slice %arg3[%dma_wait3A_37, %dma_wait3A_38] : memref<2x128xf32, #tpu.memory_space<hbm>> -> memref<2x128xf32, #tpu.memory_space<hbm>>
    tpu.wait_indirect_dma semaphore(%arg23 : memref<!tpu.dma_semaphore, #tpu.memory_space<semaphore_mem>>) src(%dma_wait3A_39 : memref<2x128xf32, #tpu.memory_space<hbm>>) dst(%arg19 : memref<16x128xf32, #tpu.memory_space<vmem>>)
    %dma_wait3A_40 = arith.constant 0 : i32
    %dma_wait3A_41 = arith.constant 0 : i32
    %dma_wait3A_42 = tpu.memref_slice %arg4[%dma_wait3A_40, %dma_wait3A_41] : memref<2x128xf32, #tpu.memory_space<hbm>> -> memref<2x128xf32, #tpu.memory_space<hbm>>
    tpu.wait_indirect_dma semaphore(%arg23 : memref<!tpu.dma_semaphore, #tpu.memory_space<semaphore_mem>>) src(%dma_wait3A_42 : memref<2x128xf32, #tpu.memory_space<hbm>>) dst(%arg20 : memref<16x128xf32, #tpu.memory_space<vmem>>)
    %dma_wait3A_43 = arith.constant 0 : i32
    %dma_wait3A_44 = arith.constant 0 : i32
    %dma_wait3A_45 = tpu.memref_slice %arg5[%dma_wait3A_43, %dma_wait3A_44] : memref<2x128xf32, #tpu.memory_space<hbm>> -> memref<2x128xf32, #tpu.memory_space<hbm>>
    tpu.wait_indirect_dma semaphore(%arg23 : memref<!tpu.dma_semaphore, #tpu.memory_space<semaphore_mem>>) src(%dma_wait3A_45 : memref<2x128xf32, #tpu.memory_space<hbm>>) dst(%arg21 : memref<16x128xf32, #tpu.memory_space<vmem>>)
    %dma_wait3A_46 = arith.constant 0 : i32
    %dma_wait3A_47 = arith.constant 0 : i32
    %dma_wait3A_48 = tpu.memref_slice %arg6[%dma_wait3A_46, %dma_wait3A_47] : memref<4x128xf32, #tpu.memory_space<hbm>> -> memref<4x128xf32, #tpu.memory_space<hbm>>
    tpu.wait_indirect_dma semaphore(%arg23 : memref<!tpu.dma_semaphore, #tpu.memory_space<semaphore_mem>>) src(%dma_wait3A_48 : memref<4x128xf32, #tpu.memory_space<hbm>>) dst(%arg22 : memref<16x128xf32, #tpu.memory_space<vmem>>)
    %dma_start3A_49 = arith.constant 0 : i32
    %dma_start3A_50 = arith.constant 0 : i32
    %dma_start3A_51 = tpu.memref_slice %arg12[%dma_start3A_49, %mul3A_0, %dma_start3A_50] : memref<5x256x128xf32, #tpu.memory_space<hbm>> -> memref<1x16x128xf32, #tpu.memory_space<hbm>>
    %dma_start3A_52 = tpu.memref_squeeze %dma_start3A_51 : memref<1x16x128xf32, #tpu.memory_space<hbm>> -> memref<16x128xf32, #tpu.memory_space<hbm>>
    %dma_start3A_53 = arith.constant 0 : i32
    %dma_start3A_54 = tpu.memref_slice %arg12[%dma_start3A_49, %mul3A_0, %dma_start3A_53] : memref<5x256x128xf32, #tpu.memory_space<hbm>> -> memref<1x16x128xf32, #tpu.memory_space<hbm>>
    %dma_start3A_55 = tpu.memref_squeeze %dma_start3A_54 : memref<1x16x128xf32, #tpu.memory_space<hbm>> -> memref<16x128xf32, #tpu.memory_space<hbm>>
    tpu.enqueue_dma source(%arg18 : memref<16x128xf32, #tpu.memory_space<vmem>>) target(%dma_start3A_55 : memref<16x128xf32, #tpu.memory_space<hbm>>) target_semaphore(%arg23 : memref<!tpu.dma_semaphore, #tpu.memory_space<semaphore_mem>>)
    %dma_start3A_56 = arith.constant 1 : i32
    %dma_start3A_57 = arith.constant 0 : i32
    %dma_start3A_58 = tpu.memref_slice %arg12[%dma_start3A_56, %mul3A_0, %dma_start3A_57] : memref<5x256x128xf32, #tpu.memory_space<hbm>> -> memref<1x16x128xf32, #tpu.memory_space<hbm>>
    %dma_start3A_59 = tpu.memref_squeeze %dma_start3A_58 : memref<1x16x128xf32, #tpu.memory_space<hbm>> -> memref<16x128xf32, #tpu.memory_space<hbm>>
    %dma_start3A_60 = arith.constant 0 : i32
    %dma_start3A_61 = tpu.memref_slice %arg12[%dma_start3A_56, %mul3A_0, %dma_start3A_60] : memref<5x256x128xf32, #tpu.memory_space<hbm>> -> memref<1x16x128xf32, #tpu.memory_space<hbm>>
    %dma_start3A_62 = tpu.memref_squeeze %dma_start3A_61 : memref<1x16x128xf32, #tpu.memory_space<hbm>> -> memref<16x128xf32, #tpu.memory_space<hbm>>
    tpu.enqueue_dma source(%arg19 : memref<16x128xf32, #tpu.memory_space<vmem>>) target(%dma_start3A_62 : memref<16x128xf32, #tpu.memory_space<hbm>>) target_semaphore(%arg23 : memref<!tpu.dma_semaphore, #tpu.memory_space<semaphore_mem>>)
    %dma_start3A_63 = arith.constant 2 : i32
    %dma_start3A_64 = arith.constant 0 : i32
    %dma_start3A_65 = tpu.memref_slice %arg12[%dma_start3A_63, %mul3A_0, %dma_start3A_64] : memref<5x256x128xf32, #tpu.memory_space<hbm>> -> memref<1x16x128xf32, #tpu.memory_space<hbm>>
    %dma_start3A_66 = tpu.memref_squeeze %dma_start3A_65 : memref<1x16x128xf32, #tpu.memory_space<hbm>> -> memref<16x128xf32, #tpu.memory_space<hbm>>
    %dma_start3A_67 = arith.constant 0 : i32
    %dma_start3A_68 = tpu.memref_slice %arg12[%dma_start3A_63, %mul3A_0, %dma_start3A_67] : memref<5x256x128xf32, #tpu.memory_space<hbm>> -> memref<1x16x128xf32, #tpu.memory_space<hbm>>
    %dma_start3A_69 = tpu.memref_squeeze %dma_start3A_68 : memref<1x16x128xf32, #tpu.memory_space<hbm>> -> memref<16x128xf32, #tpu.memory_space<hbm>>
    tpu.enqueue_dma source(%arg20 : memref<16x128xf32, #tpu.memory_space<vmem>>) target(%dma_start3A_69 : memref<16x128xf32, #tpu.memory_space<hbm>>) target_semaphore(%arg23 : memref<!tpu.dma_semaphore, #tpu.memory_space<semaphore_mem>>)
    %dma_start3A_70 = arith.constant 3 : i32
    %dma_start3A_71 = arith.constant 0 : i32
    %dma_start3A_72 = tpu.memref_slice %arg12[%dma_start3A_70, %mul3A_0, %dma_start3A_71] : memref<5x256x128xf32, #tpu.memory_space<hbm>> -> memref<1x16x128xf32, #tpu.memory_space<hbm>>
    %dma_start3A_73 = tpu.memref_squeeze %dma_start3A_72 : memref<1x16x128xf32, #tpu.memory_space<hbm>> -> memref<16x128xf32, #tpu.memory_space<hbm>>
    %dma_start3A_74 = arith.constant 0 : i32
    %dma_start3A_75 = tpu.memref_slice %arg12[%dma_start3A_70, %mul3A_0, %dma_start3A_74] : memref<5x256x128xf32, #tpu.memory_space<hbm>> -> memref<1x16x128xf32, #tpu.memory_space<hbm>>
    %dma_start3A_76 = tpu.memref_squeeze %dma_start3A_75 : memref<1x16x128xf32, #tpu.memory_space<hbm>> -> memref<16x128xf32, #tpu.memory_space<hbm>>
    tpu.enqueue_dma source(%arg21 : memref<16x128xf32, #tpu.memory_space<vmem>>) target(%dma_start3A_76 : memref<16x128xf32, #tpu.memory_space<hbm>>) target_semaphore(%arg23 : memref<!tpu.dma_semaphore, #tpu.memory_space<semaphore_mem>>)
    %dma_start3A_77 = arith.constant 4 : i32
    %dma_start3A_78 = arith.constant 0 : i32
    %dma_start3A_79 = tpu.memref_slice %arg12[%dma_start3A_77, %mul3A_0, %dma_start3A_78] : memref<5x256x128xf32, #tpu.memory_space<hbm>> -> memref<1x16x128xf32, #tpu.memory_space<hbm>>
    %dma_start3A_80 = tpu.memref_squeeze %dma_start3A_79 : memref<1x16x128xf32, #tpu.memory_space<hbm>> -> memref<16x128xf32, #tpu.memory_space<hbm>>
    %dma_start3A_81 = arith.constant 0 : i32
    %dma_start3A_82 = tpu.memref_slice %arg12[%dma_start3A_77, %mul3A_0, %dma_start3A_81] : memref<5x256x128xf32, #tpu.memory_space<hbm>> -> memref<1x16x128xf32, #tpu.memory_space<hbm>>
    %dma_start3A_83 = tpu.memref_squeeze %dma_start3A_82 : memref<1x16x128xf32, #tpu.memory_space<hbm>> -> memref<16x128xf32, #tpu.memory_space<hbm>>
    tpu.enqueue_dma source(%arg22 : memref<16x128xf32, #tpu.memory_space<vmem>>) target(%dma_start3A_83 : memref<16x128xf32, #tpu.memory_space<hbm>>) target_semaphore(%arg23 : memref<!tpu.dma_semaphore, #tpu.memory_space<semaphore_mem>>)
    %dma_wait3A_84 = arith.constant 0 : i32
    %dma_wait3A_85 = arith.constant 0 : i32
    %dma_wait3A_86 = tpu.memref_slice %arg12[%dma_wait3A_84, %mul3A_0, %dma_wait3A_85] : memref<5x256x128xf32, #tpu.memory_space<hbm>> -> memref<1x16x128xf32, #tpu.memory_space<hbm>>
    %dma_wait3A_87 = tpu.memref_squeeze %dma_wait3A_86 : memref<1x16x128xf32, #tpu.memory_space<hbm>> -> memref<16x128xf32, #tpu.memory_space<hbm>>
    %dma_wait3A_88 = arith.constant 0 : i32
    %dma_wait3A_89 = tpu.memref_slice %arg12[%dma_wait3A_84, %mul3A_0, %dma_wait3A_88] : memref<5x256x128xf32, #tpu.memory_space<hbm>> -> memref<1x16x128xf32, #tpu.memory_space<hbm>>
    %dma_wait3A_90 = tpu.memref_squeeze %dma_wait3A_89 : memref<1x16x128xf32, #tpu.memory_space<hbm>> -> memref<16x128xf32, #tpu.memory_space<hbm>>
    tpu.wait_dma2 semaphore(%arg23 : memref<!tpu.dma_semaphore, #tpu.memory_space<semaphore_mem>>) src(%arg18 : memref<16x128xf32, #tpu.memory_space<vmem>>) dst(%dma_wait3A_90 : memref<16x128xf32, #tpu.memory_space<hbm>>)
    %dma_wait3A_91 = arith.constant 1 : i32
    %dma_wait3A_92 = arith.constant 0 : i32
    %dma_wait3A_93 = tpu.memref_slice %arg12[%dma_wait3A_91, %mul3A_0, %dma_wait3A_92] : memref<5x256x128xf32, #tpu.memory_space<hbm>> -> memref<1x16x128xf32, #tpu.memory_space<hbm>>
    %dma_wait3A_94 = tpu.memref_squeeze %dma_wait3A_93 : memref<1x16x128xf32, #tpu.memory_space<hbm>> -> memref<16x128xf32, #tpu.memory_space<hbm>>
    %dma_wait3A_95 = arith.constant 0 : i32
    %dma_wait3A_96 = tpu.memref_slice %arg12[%dma_wait3A_91, %mul3A_0, %dma_wait3A_95] : memref<5x256x128xf32, #tpu.memory_space<hbm>> -> memref<1x16x128xf32, #tpu.memory_space<hbm>>
    %dma_wait3A_97 = tpu.memref_squeeze %dma_wait3A_96 : memref<1x16x128xf32, #tpu.memory_space<hbm>> -> memref<16x128xf32, #tpu.memory_space<hbm>>
    tpu.wait_dma2 semaphore(%arg23 : memref<!tpu.dma_semaphore, #tpu.memory_space<semaphore_mem>>) src(%arg19 : memref<16x128xf32, #tpu.memory_space<vmem>>) dst(%dma_wait3A_97 : memref<16x128xf32, #tpu.memory_space<hbm>>)
    %dma_wait3A_98 = arith.constant 2 : i32
    %dma_wait3A_99 = arith.constant 0 : i32
    %dma_wait3A_100 = tpu.memref_slice %arg12[%dma_wait3A_98, %mul3A_0, %dma_wait3A_99] : memref<5x256x128xf32, #tpu.memory_space<hbm>> -> memref<1x16x128xf32, #tpu.memory_space<hbm>>
    %dma_wait3A_101 = tpu.memref_squeeze %dma_wait3A_100 : memref<1x16x128xf32, #tpu.memory_space<hbm>> -> memref<16x128xf32, #tpu.memory_space<hbm>>
    %dma_wait3A_102 = arith.constant 0 : i32
    %dma_wait3A_103 = tpu.memref_slice %arg12[%dma_wait3A_98, %mul3A_0, %dma_wait3A_102] : memref<5x256x128xf32, #tpu.memory_space<hbm>> -> memref<1x16x128xf32, #tpu.memory_space<hbm>>
    %dma_wait3A_104 = tpu.memref_squeeze %dma_wait3A_103 : memref<1x16x128xf32, #tpu.memory_space<hbm>> -> memref<16x128xf32, #tpu.memory_space<hbm>>
    tpu.wait_dma2 semaphore(%arg23 : memref<!tpu.dma_semaphore, #tpu.memory_space<semaphore_mem>>) src(%arg20 : memref<16x128xf32, #tpu.memory_space<vmem>>) dst(%dma_wait3A_104 : memref<16x128xf32, #tpu.memory_space<hbm>>)
    %dma_wait3A_105 = arith.constant 3 : i32
    %dma_wait3A_106 = arith.constant 0 : i32
    %dma_wait3A_107 = tpu.memref_slice %arg12[%dma_wait3A_105, %mul3A_0, %dma_wait3A_106] : memref<5x256x128xf32, #tpu.memory_space<hbm>> -> memref<1x16x128xf32, #tpu.memory_space<hbm>>
    %dma_wait3A_108 = tpu.memref_squeeze %dma_wait3A_107 : memref<1x16x128xf32, #tpu.memory_space<hbm>> -> memref<16x128xf32, #tpu.memory_space<hbm>>
    %dma_wait3A_109 = arith.constant 0 : i32
    %dma_wait3A_110 = tpu.memref_slice %arg12[%dma_wait3A_105, %mul3A_0, %dma_wait3A_109] : memref<5x256x128xf32, #tpu.memory_space<hbm>> -> memref<1x16x128xf32, #tpu.memory_space<hbm>>
    %dma_wait3A_111 = tpu.memref_squeeze %dma_wait3A_110 : memref<1x16x128xf32, #tpu.memory_space<hbm>> -> memref<16x128xf32, #tpu.memory_space<hbm>>
    tpu.wait_dma2 semaphore(%arg23 : memref<!tpu.dma_semaphore, #tpu.memory_space<semaphore_mem>>) src(%arg21 : memref<16x128xf32, #tpu.memory_space<vmem>>) dst(%dma_wait3A_111 : memref<16x128xf32, #tpu.memory_space<hbm>>)
    %dma_wait3A_112 = arith.constant 4 : i32
    %dma_wait3A_113 = arith.constant 0 : i32
    %dma_wait3A_114 = tpu.memref_slice %arg12[%dma_wait3A_112, %mul3A_0, %dma_wait3A_113] : memref<5x256x128xf32, #tpu.memory_space<hbm>> -> memref<1x16x128xf32, #tpu.memory_space<hbm>>
    %dma_wait3A_115 = tpu.memref_squeeze %dma_wait3A_114 : memref<1x16x128xf32, #tpu.memory_space<hbm>> -> memref<16x128xf32, #tpu.memory_space<hbm>>
    %dma_wait3A_116 = arith.constant 0 : i32
    %dma_wait3A_117 = tpu.memref_slice %arg12[%dma_wait3A_112, %mul3A_0, %dma_wait3A_116] : memref<5x256x128xf32, #tpu.memory_space<hbm>> -> memref<1x16x128xf32, #tpu.memory_space<hbm>>
    %dma_wait3A_118 = tpu.memref_squeeze %dma_wait3A_117 : memref<1x16x128xf32, #tpu.memory_space<hbm>> -> memref<16x128xf32, #tpu.memory_space<hbm>>
    tpu.wait_dma2 semaphore(%arg23 : memref<!tpu.dma_semaphore, #tpu.memory_space<semaphore_mem>>) src(%arg22 : memref<16x128xf32, #tpu.memory_space<vmem>>) dst(%dma_wait3A_118 : memref<16x128xf32, #tpu.memory_space<hbm>>)
    return
  }
}

module attributes {stable_mosaic.version = 14 : i64} {
  func.func @_tc_body(%arg0: i32, %arg1: memref<5x256x128xf32, #tpu.memory_space<vmem>>, %arg2: memref<256x384xf32, #tpu.memory_space<vmem>>, %arg3: memref<256x384xf32, #tpu.memory_space<vmem>>, %arg4: memref<256x384xf32, #tpu.memory_space<vmem>>, %arg5: memref<256x384xf32, #tpu.memory_space<vmem>>, %arg6: memref<256x384xf32, #tpu.memory_space<vmem>>, %arg7: memref<1x256xf32, #tpu.memory_space<vmem>>, %arg8: memref<1x256xf32, #tpu.memory_space<vmem>>, %arg9: memref<1x256xf32, #tpu.memory_space<vmem>>, %arg10: memref<1x256xf32, #tpu.memory_space<vmem>>, %arg11: memref<1x256xf32, #tpu.memory_space<vmem>>, %arg12: memref<1024x256xf32, #tpu.memory_space<vmem>>, %arg13: memref<1024x256xf32, #tpu.memory_space<vmem>>, %arg14: memref<1024x256xf32, #tpu.memory_space<vmem>>, %arg15: memref<1024x256xf32, #tpu.memory_space<vmem>>, %arg16: memref<1024x256xf32, #tpu.memory_space<vmem>>, %arg17: memref<5x256x256xf32, #tpu.memory_space<vmem>>, %arg18: memref<5x256x256xbf16, #tpu.memory_space<vmem>>, %arg19: memref<5x256x256xbf16, #tpu.memory_space<vmem>>) attributes {dimension_semantics = [#tpu.dimension_semantics<arbitrary>], iteration_bounds = array<i64: 64>, scalar_prefetch = 0 : i64, scratch_operands = 3 : i64, tpu.core_type = #tpu.core_type<tc>, window_params = [{pipeline_mode = #tpu.pipeline_mode<synchronous>, transform_indices = @transform_0, window_bounds = array<i64: 5, 256, 128>}, {pipeline_mode = #tpu.pipeline_mode<synchronous>, transform_indices = @transform_1, window_bounds = array<i64: 256, 384>}, {pipeline_mode = #tpu.pipeline_mode<synchronous>, transform_indices = @transform_2, window_bounds = array<i64: 256, 384>}, {pipeline_mode = #tpu.pipeline_mode<synchronous>, transform_indices = @transform_3, window_bounds = array<i64: 256, 384>}, {pipeline_mode = #tpu.pipeline_mode<synchronous>, transform_indices = @transform_4, window_bounds = array<i64: 256, 384>}, {pipeline_mode = #tpu.pipeline_mode<synchronous>, transform_indices = @transform_5, window_bounds = array<i64: 256, 384>}, {pipeline_mode = #tpu.pipeline_mode<synchronous>, transform_indices = @transform_6, window_bounds = array<i64: 1, 256>}, {pipeline_mode = #tpu.pipeline_mode<synchronous>, transform_indices = @transform_7, window_bounds = array<i64: 1, 256>}, {pipeline_mode = #tpu.pipeline_mode<synchronous>, transform_indices = @transform_8, window_bounds = array<i64: 1, 256>}, {pipeline_mode = #tpu.pipeline_mode<synchronous>, transform_indices = @transform_9, window_bounds = array<i64: 1, 256>}, {pipeline_mode = #tpu.pipeline_mode<synchronous>, transform_indices = @transform_10, window_bounds = array<i64: 1, 256>}, {transform_indices = @transform_11, window_bounds = array<i64: 1024, 256>}, {transform_indices = @transform_12, window_bounds = array<i64: 1024, 256>}, {transform_indices = @transform_13, window_bounds = array<i64: 1024, 256>}, {transform_indices = @transform_14, window_bounds = array<i64: 1024, 256>}, {transform_indices = @transform_15, window_bounds = array<i64: 1024, 256>}]} {
    %eq3A = arith.constant 0 : i32
    %eq3A_0 = arith.cmpi eq, %arg0, %eq3A : i32
    %convert_element_type3A = arith.extui %eq3A_0 : i1 to i32
    %cond3A = arith.constant 0 : i32
    %cond3A_1 = arith.cmpi ne, %convert_element_type3A, %cond3A : i32
    scf.if %cond3A_1 {
      %get3A_756 = arith.constant 0 : index
      %get3A_757 = arith.constant 0 : index
      %get3A_758 = arith.constant 0 : index
      %get3A_759 = vector.load %arg1[%get3A_756, %get3A_757, %get3A_758] : memref<5x256x128xf32, #tpu.memory_space<vmem>>, vector<1x256x128xf32>
      %get3A_760 = vector.shape_cast %get3A_759 : vector<1x256x128xf32> to vector<256x128xf32>
      %get3A_761 = arith.constant 0 : index
      %get3A_762 = arith.constant 0 : index
      %get3A_763 = vector.load %arg2[%get3A_761, %get3A_762] : memref<256x384xf32, #tpu.memory_space<vmem>>, vector<256x128xf32>
      %dot_general3A_764 = arith.constant dense<0.000000e+00> : vector<256x256xf32>
      %dot_general3A_765 = tpu.matmul %get3A_760, %get3A_763, %dot_general3A_764 {dimension_numbers = #tpu.dot_dimension_numbers<[1], [1], [0], [0], [0, 0, 1, 0], [], []>, transpose_lhs_hint = false} : vector<256x128xf32>, vector<256x128xf32>, vector<256x256xf32> -> vector<256x256xf32>
      %get3A_766 = arith.constant 0 : index
      %get3A_767 = arith.constant 0 : index
      %get3A_768 = vector.load %arg7[%get3A_766, %get3A_767] : memref<1x256xf32, #tpu.memory_space<vmem>>, vector<1x256xf32>
      %add3A_769 = vector.broadcast %get3A_768 : vector<1x256xf32> to vector<256x256xf32>
      %add3A_770 = arith.addf %dot_general3A_765, %add3A_769 : vector<256x256xf32>
      %swap3A_771 = arith.constant 0 : index
      %swap3A_772 = arith.constant 0 : index
      %swap3A_773 = arith.constant 0 : index
      %swap3A_774 = vector.load %arg17[%swap3A_771, %swap3A_772, %swap3A_773] : memref<5x256x256xf32, #tpu.memory_space<vmem>>, vector<1x256x256xf32>
      %swap3A_775 = vector.shape_cast %swap3A_774 : vector<1x256x256xf32> to vector<256x256xf32>
      %swap3A_776 = vector.shape_cast %add3A_770 : vector<256x256xf32> to vector<1x256x256xf32>
      tpu.vector_store %arg17[%swap3A_771, %swap3A_772, %swap3A_773], %swap3A_776 {strides = array<i32>} : memref<5x256x256xf32, #tpu.memory_space<vmem>>, vector<1x256x256xf32>,
      %concatenate3A_777 = tpu.concatenate %get3A_760, %get3A_760 in 1 : vector<256x128xf32>, vector<256x128xf32> -> vector<256x256xf32>
      %convert_element_type3A_778 = arith.truncf %concatenate3A_777 : vector<256x256xf32> to vector<256x256xbf16>
      %swap3A_779 = arith.constant 0 : index
      %swap3A_780 = arith.constant 0 : index
      %swap3A_781 = arith.constant 0 : index
      %swap3A_782 = vector.load %arg18[%swap3A_779, %swap3A_780, %swap3A_781] : memref<5x256x256xbf16, #tpu.memory_space<vmem>>, vector<1x256x256xbf16>
      %swap3A_783 = vector.shape_cast %swap3A_782 : vector<1x256x256xbf16> to vector<256x256xbf16>
      %swap3A_784 = vector.shape_cast %convert_element_type3A_778 : vector<256x256xbf16> to vector<1x256x256xbf16>
      tpu.vector_store %arg18[%swap3A_779, %swap3A_780, %swap3A_781], %swap3A_784 {strides = array<i32>} : memref<5x256x256xbf16, #tpu.memory_space<vmem>>, vector<1x256x256xbf16>,
      %get3A_785 = arith.constant 0 : index
      %get3A_786 = arith.constant 256 : index
      %get3A_787 = vector.load %arg2[%get3A_785, %get3A_786] : memref<256x384xf32, #tpu.memory_space<vmem>>, vector<256x128xf32>
      %get3A_788 = arith.constant 0 : index
      %get3A_789 = arith.constant 128 : index
      %get3A_790 = vector.load %arg2[%get3A_788, %get3A_789] : memref<256x384xf32, #tpu.memory_space<vmem>>, vector<256x128xf32>
      %concatenate3A_791 = tpu.concatenate %get3A_787, %get3A_790 in 1 : vector<256x128xf32>, vector<256x128xf32> -> vector<256x256xf32>
      %convert_element_type3A_792 = arith.truncf %concatenate3A_791 : vector<256x256xf32> to vector<256x256xbf16>
      %swap3A_793 = arith.constant 0 : index
      %swap3A_794 = arith.constant 0 : index
      %swap3A_795 = arith.constant 0 : index
      %swap3A_796 = vector.load %arg19[%swap3A_793, %swap3A_794, %swap3A_795] : memref<5x256x256xbf16, #tpu.memory_space<vmem>>, vector<1x256x256xbf16>
      %swap3A_797 = vector.shape_cast %swap3A_796 : vector<1x256x256xbf16> to vector<256x256xbf16>
      %swap3A_798 = vector.shape_cast %convert_element_type3A_792 : vector<256x256xbf16> to vector<1x256x256xbf16>
      tpu.vector_store %arg19[%swap3A_793, %swap3A_794, %swap3A_795], %swap3A_798 {strides = array<i32>} : memref<5x256x256xbf16, #tpu.memory_space<vmem>>, vector<1x256x256xbf16>,
      %get3A_799 = arith.constant 1 : index
      %get3A_800 = arith.constant 0 : index
      %get3A_801 = arith.constant 0 : index
      %get3A_802 = vector.load %arg1[%get3A_799, %get3A_800, %get3A_801] : memref<5x256x128xf32, #tpu.memory_space<vmem>>, vector<1x256x128xf32>
      %get3A_803 = vector.shape_cast %get3A_802 : vector<1x256x128xf32> to vector<256x128xf32>
      %get3A_804 = arith.constant 0 : index
      %get3A_805 = arith.constant 0 : index
      %get3A_806 = vector.load %arg3[%get3A_804, %get3A_805] : memref<256x384xf32, #tpu.memory_space<vmem>>, vector<256x128xf32>
      %dot_general3A_807 = arith.constant dense<0.000000e+00> : vector<256x256xf32>
      %dot_general3A_808 = tpu.matmul %get3A_803, %get3A_806, %dot_general3A_807 {dimension_numbers = #tpu.dot_dimension_numbers<[1], [1], [0], [0], [0, 0, 1, 0], [], []>, transpose_lhs_hint = false} : vector<256x128xf32>, vector<256x128xf32>, vector<256x256xf32> -> vector<256x256xf32>
      %get3A_809 = arith.constant 0 : index
      %get3A_810 = arith.constant 0 : index
      %get3A_811 = vector.load %arg8[%get3A_809, %get3A_810] : memref<1x256xf32, #tpu.memory_space<vmem>>, vector<1x256xf32>
      %add3A_812 = vector.broadcast %get3A_811 : vector<1x256xf32> to vector<256x256xf32>
      %add3A_813 = arith.addf %dot_general3A_808, %add3A_812 : vector<256x256xf32>
      %swap3A_814 = arith.constant 1 : index
      %swap3A_815 = arith.constant 0 : index
      %swap3A_816 = arith.constant 0 : index
      %swap3A_817 = vector.load %arg17[%swap3A_814, %swap3A_815, %swap3A_816] : memref<5x256x256xf32, #tpu.memory_space<vmem>>, vector<1x256x256xf32>
      %swap3A_818 = vector.shape_cast %swap3A_817 : vector<1x256x256xf32> to vector<256x256xf32>
      %swap3A_819 = vector.shape_cast %add3A_813 : vector<256x256xf32> to vector<1x256x256xf32>
      tpu.vector_store %arg17[%swap3A_814, %swap3A_815, %swap3A_816], %swap3A_819 {strides = array<i32>} : memref<5x256x256xf32, #tpu.memory_space<vmem>>, vector<1x256x256xf32>,
      %concatenate3A_820 = tpu.concatenate %get3A_803, %get3A_803 in 1 : vector<256x128xf32>, vector<256x128xf32> -> vector<256x256xf32>
      %convert_element_type3A_821 = arith.truncf %concatenate3A_820 : vector<256x256xf32> to vector<256x256xbf16>
      %swap3A_822 = arith.constant 1 : index
      %swap3A_823 = arith.constant 0 : index
      %swap3A_824 = arith.constant 0 : index
      %swap3A_825 = vector.load %arg18[%swap3A_822, %swap3A_823, %swap3A_824] : memref<5x256x256xbf16, #tpu.memory_space<vmem>>, vector<1x256x256xbf16>
      %swap3A_826 = vector.shape_cast %swap3A_825 : vector<1x256x256xbf16> to vector<256x256xbf16>
      %swap3A_827 = vector.shape_cast %convert_element_type3A_821 : vector<256x256xbf16> to vector<1x256x256xbf16>
      tpu.vector_store %arg18[%swap3A_822, %swap3A_823, %swap3A_824], %swap3A_827 {strides = array<i32>} : memref<5x256x256xbf16, #tpu.memory_space<vmem>>, vector<1x256x256xbf16>,
      %get3A_828 = arith.constant 0 : index
      %get3A_829 = arith.constant 256 : index
      %get3A_830 = vector.load %arg3[%get3A_828, %get3A_829] : memref<256x384xf32, #tpu.memory_space<vmem>>, vector<256x128xf32>
      %get3A_831 = arith.constant 0 : index
      %get3A_832 = arith.constant 128 : index
      %get3A_833 = vector.load %arg3[%get3A_831, %get3A_832] : memref<256x384xf32, #tpu.memory_space<vmem>>, vector<256x128xf32>
      %concatenate3A_834 = tpu.concatenate %get3A_830, %get3A_833 in 1 : vector<256x128xf32>, vector<256x128xf32> -> vector<256x256xf32>
      %convert_element_type3A_835 = arith.truncf %concatenate3A_834 : vector<256x256xf32> to vector<256x256xbf16>
      %swap3A_836 = arith.constant 1 : index
      %swap3A_837 = arith.constant 0 : index
      %swap3A_838 = arith.constant 0 : index
      %swap3A_839 = vector.load %arg19[%swap3A_836, %swap3A_837, %swap3A_838] : memref<5x256x256xbf16, #tpu.memory_space<vmem>>, vector<1x256x256xbf16>
      %swap3A_840 = vector.shape_cast %swap3A_839 : vector<1x256x256xbf16> to vector<256x256xbf16>
      %swap3A_841 = vector.shape_cast %convert_element_type3A_835 : vector<256x256xbf16> to vector<1x256x256xbf16>
      tpu.vector_store %arg19[%swap3A_836, %swap3A_837, %swap3A_838], %swap3A_841 {strides = array<i32>} : memref<5x256x256xbf16, #tpu.memory_space<vmem>>, vector<1x256x256xbf16>,
      %get3A_842 = arith.constant 2 : index
      %get3A_843 = arith.constant 0 : index
      %get3A_844 = arith.constant 0 : index
      %get3A_845 = vector.load %arg1[%get3A_842, %get3A_843, %get3A_844] : memref<5x256x128xf32, #tpu.memory_space<vmem>>, vector<1x256x128xf32>
      %get3A_846 = vector.shape_cast %get3A_845 : vector<1x256x128xf32> to vector<256x128xf32>
      %get3A_847 = arith.constant 0 : index
      %get3A_848 = arith.constant 0 : index
      %get3A_849 = vector.load %arg4[%get3A_847, %get3A_848] : memref<256x384xf32, #tpu.memory_space<vmem>>, vector<256x128xf32>
      %dot_general3A_850 = arith.constant dense<0.000000e+00> : vector<256x256xf32>
      %dot_general3A_851 = tpu.matmul %get3A_846, %get3A_849, %dot_general3A_850 {dimension_numbers = #tpu.dot_dimension_numbers<[1], [1], [0], [0], [0, 0, 1, 0], [], []>, transpose_lhs_hint = false} : vector<256x128xf32>, vector<256x128xf32>, vector<256x256xf32> -> vector<256x256xf32>
      %get3A_852 = arith.constant 0 : index
      %get3A_853 = arith.constant 0 : index
      %get3A_854 = vector.load %arg9[%get3A_852, %get3A_853] : memref<1x256xf32, #tpu.memory_space<vmem>>, vector<1x256xf32>
      %add3A_855 = vector.broadcast %get3A_854 : vector<1x256xf32> to vector<256x256xf32>
      %add3A_856 = arith.addf %dot_general3A_851, %add3A_855 : vector<256x256xf32>
      %swap3A_857 = arith.constant 2 : index
      %swap3A_858 = arith.constant 0 : index
      %swap3A_859 = arith.constant 0 : index
      %swap3A_860 = vector.load %arg17[%swap3A_857, %swap3A_858, %swap3A_859] : memref<5x256x256xf32, #tpu.memory_space<vmem>>, vector<1x256x256xf32>
      %swap3A_861 = vector.shape_cast %swap3A_860 : vector<1x256x256xf32> to vector<256x256xf32>
      %swap3A_862 = vector.shape_cast %add3A_856 : vector<256x256xf32> to vector<1x256x256xf32>
      tpu.vector_store %arg17[%swap3A_857, %swap3A_858, %swap3A_859], %swap3A_862 {strides = array<i32>} : memref<5x256x256xf32, #tpu.memory_space<vmem>>, vector<1x256x256xf32>,
      %concatenate3A_863 = tpu.concatenate %get3A_846, %get3A_846 in 1 : vector<256x128xf32>, vector<256x128xf32> -> vector<256x256xf32>
      %convert_element_type3A_864 = arith.truncf %concatenate3A_863 : vector<256x256xf32> to vector<256x256xbf16>
      %swap3A_865 = arith.constant 2 : index
      %swap3A_866 = arith.constant 0 : index
      %swap3A_867 = arith.constant 0 : index
      %swap3A_868 = vector.load %arg18[%swap3A_865, %swap3A_866, %swap3A_867] : memref<5x256x256xbf16, #tpu.memory_space<vmem>>, vector<1x256x256xbf16>
      %swap3A_869 = vector.shape_cast %swap3A_868 : vector<1x256x256xbf16> to vector<256x256xbf16>
      %swap3A_870 = vector.shape_cast %convert_element_type3A_864 : vector<256x256xbf16> to vector<1x256x256xbf16>
      tpu.vector_store %arg18[%swap3A_865, %swap3A_866, %swap3A_867], %swap3A_870 {strides = array<i32>} : memref<5x256x256xbf16, #tpu.memory_space<vmem>>, vector<1x256x256xbf16>,
      %get3A_871 = arith.constant 0 : index
      %get3A_872 = arith.constant 256 : index
      %get3A_873 = vector.load %arg4[%get3A_871, %get3A_872] : memref<256x384xf32, #tpu.memory_space<vmem>>, vector<256x128xf32>
      %get3A_874 = arith.constant 0 : index
      %get3A_875 = arith.constant 128 : index
      %get3A_876 = vector.load %arg4[%get3A_874, %get3A_875] : memref<256x384xf32, #tpu.memory_space<vmem>>, vector<256x128xf32>
      %concatenate3A_877 = tpu.concatenate %get3A_873, %get3A_876 in 1 : vector<256x128xf32>, vector<256x128xf32> -> vector<256x256xf32>
      %convert_element_type3A_878 = arith.truncf %concatenate3A_877 : vector<256x256xf32> to vector<256x256xbf16>
      %swap3A_879 = arith.constant 2 : index
      %swap3A_880 = arith.constant 0 : index
      %swap3A_881 = arith.constant 0 : index
      %swap3A_882 = vector.load %arg19[%swap3A_879, %swap3A_880, %swap3A_881] : memref<5x256x256xbf16, #tpu.memory_space<vmem>>, vector<1x256x256xbf16>
      %swap3A_883 = vector.shape_cast %swap3A_882 : vector<1x256x256xbf16> to vector<256x256xbf16>
      %swap3A_884 = vector.shape_cast %convert_element_type3A_878 : vector<256x256xbf16> to vector<1x256x256xbf16>
      tpu.vector_store %arg19[%swap3A_879, %swap3A_880, %swap3A_881], %swap3A_884 {strides = array<i32>} : memref<5x256x256xbf16, #tpu.memory_space<vmem>>, vector<1x256x256xbf16>,
      %get3A_885 = arith.constant 3 : index
      %get3A_886 = arith.constant 0 : index
      %get3A_887 = arith.constant 0 : index
      %get3A_888 = vector.load %arg1[%get3A_885, %get3A_886, %get3A_887] : memref<5x256x128xf32, #tpu.memory_space<vmem>>, vector<1x256x128xf32>
      %get3A_889 = vector.shape_cast %get3A_888 : vector<1x256x128xf32> to vector<256x128xf32>
      %get3A_890 = arith.constant 0 : index
      %get3A_891 = arith.constant 0 : index
      %get3A_892 = vector.load %arg5[%get3A_890, %get3A_891] : memref<256x384xf32, #tpu.memory_space<vmem>>, vector<256x128xf32>
      %dot_general3A_893 = arith.constant dense<0.000000e+00> : vector<256x256xf32>
      %dot_general3A_894 = tpu.matmul %get3A_889, %get3A_892, %dot_general3A_893 {dimension_numbers = #tpu.dot_dimension_numbers<[1], [1], [0], [0], [0, 0, 1, 0], [], []>, transpose_lhs_hint = false} : vector<256x128xf32>, vector<256x128xf32>, vector<256x256xf32> -> vector<256x256xf32>
      %get3A_895 = arith.constant 0 : index
      %get3A_896 = arith.constant 0 : index
      %get3A_897 = vector.load %arg10[%get3A_895, %get3A_896] : memref<1x256xf32, #tpu.memory_space<vmem>>, vector<1x256xf32>
      %add3A_898 = vector.broadcast %get3A_897 : vector<1x256xf32> to vector<256x256xf32>
      %add3A_899 = arith.addf %dot_general3A_894, %add3A_898 : vector<256x256xf32>
      %swap3A_900 = arith.constant 3 : index
      %swap3A_901 = arith.constant 0 : index
      %swap3A_902 = arith.constant 0 : index
      %swap3A_903 = vector.load %arg17[%swap3A_900, %swap3A_901, %swap3A_902] : memref<5x256x256xf32, #tpu.memory_space<vmem>>, vector<1x256x256xf32>
      %swap3A_904 = vector.shape_cast %swap3A_903 : vector<1x256x256xf32> to vector<256x256xf32>
      %swap3A_905 = vector.shape_cast %add3A_899 : vector<256x256xf32> to vector<1x256x256xf32>
      tpu.vector_store %arg17[%swap3A_900, %swap3A_901, %swap3A_902], %swap3A_905 {strides = array<i32>} : memref<5x256x256xf32, #tpu.memory_space<vmem>>, vector<1x256x256xf32>,
      %concatenate3A_906 = tpu.concatenate %get3A_889, %get3A_889 in 1 : vector<256x128xf32>, vector<256x128xf32> -> vector<256x256xf32>
      %convert_element_type3A_907 = arith.truncf %concatenate3A_906 : vector<256x256xf32> to vector<256x256xbf16>
      %swap3A_908 = arith.constant 3 : index
      %swap3A_909 = arith.constant 0 : index
      %swap3A_910 = arith.constant 0 : index
      %swap3A_911 = vector.load %arg18[%swap3A_908, %swap3A_909, %swap3A_910] : memref<5x256x256xbf16, #tpu.memory_space<vmem>>, vector<1x256x256xbf16>
      %swap3A_912 = vector.shape_cast %swap3A_911 : vector<1x256x256xbf16> to vector<256x256xbf16>
      %swap3A_913 = vector.shape_cast %convert_element_type3A_907 : vector<256x256xbf16> to vector<1x256x256xbf16>
      tpu.vector_store %arg18[%swap3A_908, %swap3A_909, %swap3A_910], %swap3A_913 {strides = array<i32>} : memref<5x256x256xbf16, #tpu.memory_space<vmem>>, vector<1x256x256xbf16>,
      %get3A_914 = arith.constant 0 : index
      %get3A_915 = arith.constant 256 : index
      %get3A_916 = vector.load %arg5[%get3A_914, %get3A_915] : memref<256x384xf32, #tpu.memory_space<vmem>>, vector<256x128xf32>
      %get3A_917 = arith.constant 0 : index
      %get3A_918 = arith.constant 128 : index
      %get3A_919 = vector.load %arg5[%get3A_917, %get3A_918] : memref<256x384xf32, #tpu.memory_space<vmem>>, vector<256x128xf32>
      %concatenate3A_920 = tpu.concatenate %get3A_916, %get3A_919 in 1 : vector<256x128xf32>, vector<256x128xf32> -> vector<256x256xf32>
      %convert_element_type3A_921 = arith.truncf %concatenate3A_920 : vector<256x256xf32> to vector<256x256xbf16>
      %swap3A_922 = arith.constant 3 : index
      %swap3A_923 = arith.constant 0 : index
      %swap3A_924 = arith.constant 0 : index
      %swap3A_925 = vector.load %arg19[%swap3A_922, %swap3A_923, %swap3A_924] : memref<5x256x256xbf16, #tpu.memory_space<vmem>>, vector<1x256x256xbf16>
      %swap3A_926 = vector.shape_cast %swap3A_925 : vector<1x256x256xbf16> to vector<256x256xbf16>
      %swap3A_927 = vector.shape_cast %convert_element_type3A_921 : vector<256x256xbf16> to vector<1x256x256xbf16>
      tpu.vector_store %arg19[%swap3A_922, %swap3A_923, %swap3A_924], %swap3A_927 {strides = array<i32>} : memref<5x256x256xbf16, #tpu.memory_space<vmem>>, vector<1x256x256xbf16>,
      %get3A_928 = arith.constant 4 : index
      %get3A_929 = arith.constant 0 : index
      %get3A_930 = arith.constant 0 : index
      %get3A_931 = vector.load %arg1[%get3A_928, %get3A_929, %get3A_930] : memref<5x256x128xf32, #tpu.memory_space<vmem>>, vector<1x256x128xf32>
      %get3A_932 = vector.shape_cast %get3A_931 : vector<1x256x128xf32> to vector<256x128xf32>
      %get3A_933 = arith.constant 0 : index
      %get3A_934 = arith.constant 0 : index
      %get3A_935 = vector.load %arg6[%get3A_933, %get3A_934] : memref<256x384xf32, #tpu.memory_space<vmem>>, vector<256x128xf32>
      %dot_general3A_936 = arith.constant dense<0.000000e+00> : vector<256x256xf32>
      %dot_general3A_937 = tpu.matmul %get3A_932, %get3A_935, %dot_general3A_936 {dimension_numbers = #tpu.dot_dimension_numbers<[1], [1], [0], [0], [0, 0, 1, 0], [], []>, transpose_lhs_hint = false} : vector<256x128xf32>, vector<256x128xf32>, vector<256x256xf32> -> vector<256x256xf32>
      %get3A_938 = arith.constant 0 : index
      %get3A_939 = arith.constant 0 : index
      %get3A_940 = vector.load %arg11[%get3A_938, %get3A_939] : memref<1x256xf32, #tpu.memory_space<vmem>>, vector<1x256xf32>
      %add3A_941 = vector.broadcast %get3A_940 : vector<1x256xf32> to vector<256x256xf32>
      %add3A_942 = arith.addf %dot_general3A_937, %add3A_941 : vector<256x256xf32>
      %swap3A_943 = arith.constant 4 : index
      %swap3A_944 = arith.constant 0 : index
      %swap3A_945 = arith.constant 0 : index
      %swap3A_946 = vector.load %arg17[%swap3A_943, %swap3A_944, %swap3A_945] : memref<5x256x256xf32, #tpu.memory_space<vmem>>, vector<1x256x256xf32>
      %swap3A_947 = vector.shape_cast %swap3A_946 : vector<1x256x256xf32> to vector<256x256xf32>
      %swap3A_948 = vector.shape_cast %add3A_942 : vector<256x256xf32> to vector<1x256x256xf32>
      tpu.vector_store %arg17[%swap3A_943, %swap3A_944, %swap3A_945], %swap3A_948 {strides = array<i32>} : memref<5x256x256xf32, #tpu.memory_space<vmem>>, vector<1x256x256xf32>,
      %concatenate3A_949 = tpu.concatenate %get3A_932, %get3A_932 in 1 : vector<256x128xf32>, vector<256x128xf32> -> vector<256x256xf32>
      %convert_element_type3A_950 = arith.truncf %concatenate3A_949 : vector<256x256xf32> to vector<256x256xbf16>
      %swap3A_951 = arith.constant 4 : index
      %swap3A_952 = arith.constant 0 : index
      %swap3A_953 = arith.constant 0 : index
      %swap3A_954 = vector.load %arg18[%swap3A_951, %swap3A_952, %swap3A_953] : memref<5x256x256xbf16, #tpu.memory_space<vmem>>, vector<1x256x256xbf16>
      %swap3A_955 = vector.shape_cast %swap3A_954 : vector<1x256x256xbf16> to vector<256x256xbf16>
      %swap3A_956 = vector.shape_cast %convert_element_type3A_950 : vector<256x256xbf16> to vector<1x256x256xbf16>
      tpu.vector_store %arg18[%swap3A_951, %swap3A_952, %swap3A_953], %swap3A_956 {strides = array<i32>} : memref<5x256x256xbf16, #tpu.memory_space<vmem>>, vector<1x256x256xbf16>,
      %get3A_957 = arith.constant 0 : index
      %get3A_958 = arith.constant 256 : index
      %get3A_959 = vector.load %arg6[%get3A_957, %get3A_958] : memref<256x384xf32, #tpu.memory_space<vmem>>, vector<256x128xf32>
      %get3A_960 = arith.constant 0 : index
      %get3A_961 = arith.constant 128 : index
      %get3A_962 = vector.load %arg6[%get3A_960, %get3A_961] : memref<256x384xf32, #tpu.memory_space<vmem>>, vector<256x128xf32>
      %concatenate3A_963 = tpu.concatenate %get3A_959, %get3A_962 in 1 : vector<256x128xf32>, vector<256x128xf32> -> vector<256x256xf32>
      %convert_element_type3A_964 = arith.truncf %concatenate3A_963 : vector<256x256xf32> to vector<256x256xbf16>
      %swap3A_965 = arith.constant 4 : index
      %swap3A_966 = arith.constant 0 : index
      %swap3A_967 = arith.constant 0 : index
      %swap3A_968 = vector.load %arg19[%swap3A_965, %swap3A_966, %swap3A_967] : memref<5x256x256xbf16, #tpu.memory_space<vmem>>, vector<1x256x256xbf16>
      %swap3A_969 = vector.shape_cast %swap3A_968 : vector<1x256x256xbf16> to vector<256x256xbf16>
      %swap3A_970 = vector.shape_cast %convert_element_type3A_964 : vector<256x256xbf16> to vector<1x256x256xbf16>
      tpu.vector_store %arg19[%swap3A_965, %swap3A_966, %swap3A_967], %swap3A_970 {strides = array<i32>} : memref<5x256x256xbf16, #tpu.memory_space<vmem>>, vector<1x256x256xbf16>,
    } else {
    }
    %broadcast_in_dim3A = arith.constant 1.000000e+00 : bf16
    %broadcast_in_dim3A_2 = vector.broadcast %broadcast_in_dim3A : bf16 to vector<1x128xbf16>
    %mul3A = arith.constant 4 : i32
    %mul3A_3 = arith.muli %arg0, %mul3A : i32
    %add3A = arith.constant 0 : i32
    %add3A_4 = arith.addi %mul3A_3, %add3A : i32
    %get3A = arith.constant 0 : index
    %get3A_5 = arith.index_cast %add3A_4 : i32 to index
    %get3A_6 = arith.constant 0 : index
    %get3A_7 = vector.load %arg1[%get3A, %get3A_5, %get3A_6] : memref<5x256x128xf32, #tpu.memory_space<vmem>>, vector<1x1x128xf32>
    %get3A_8 = vector.shape_cast %get3A_7 : vector<1x1x128xf32> to vector<1x128xf32>
    %convert_element_type3A_9 = arith.truncf %get3A_8 : vector<1x128xf32> to vector<1x128xbf16>
    %concatenate3A = tpu.concatenate %convert_element_type3A_9, %broadcast_in_dim3A_2 in 1 : vector<1x128xbf16>, vector<1x128xbf16> -> vector<1x256xbf16>
    %get3A_10 = arith.constant 0 : index
    %get3A_11 = arith.constant 0 : index
    %get3A_12 = arith.constant 0 : index
    %get3A_13 = vector.load %arg18[%get3A_10, %get3A_11, %get3A_12] : memref<5x256x256xbf16, #tpu.memory_space<vmem>>, vector<1x256x256xbf16>
    %get3A_14 = vector.shape_cast %get3A_13 : vector<1x256x256xbf16> to vector<256x256xbf16>
    %mul3A_15 = vector.broadcast %concatenate3A : vector<1x256xbf16> to vector<256x256xbf16>
    %mul3A_16 = arith.mulf %get3A_14, %mul3A_15 : vector<256x256xbf16>
    %get3A_17 = arith.constant 0 : index
    %get3A_18 = arith.constant 0 : index
    %get3A_19 = arith.constant 0 : index
    %get3A_20 = vector.load %arg19[%get3A_17, %get3A_18, %get3A_19] : memref<5x256x256xbf16, #tpu.memory_space<vmem>>, vector<1x256x256xbf16>
    %get3A_21 = vector.shape_cast %get3A_20 : vector<1x256x256xbf16> to vector<256x256xbf16>
    %dot_general3A = arith.constant dense<0.000000e+00> : vector<256x256xf32>
    %dot_general3A_22 = tpu.matmul %mul3A_16, %get3A_21, %dot_general3A {dimension_numbers = #tpu.dot_dimension_numbers<[1], [1], [0], [0], [0, 0, 1, 0], [], []>, transpose_lhs_hint = false} : vector<256x256xbf16>, vector<256x256xbf16>, vector<256x256xf32> -> vector<256x256xf32>
    %get3A_23 = arith.constant 0 : index
    %get3A_24 = arith.index_cast %add3A_4 : i32 to index
    %get3A_25 = arith.constant 0 : index
    %get3A_26 = vector.load %arg17[%get3A_23, %get3A_24, %get3A_25] : memref<5x256x256xf32, #tpu.memory_space<vmem>>, vector<1x1x256xf32>
    %get3A_27 = vector.shape_cast %get3A_26 : vector<1x1x256xf32> to vector<1x256xf32>
    %add3A_28 = vector.broadcast %get3A_27 : vector<1x256xf32> to vector<256x256xf32>
    %add3A_29 = arith.addf %dot_general3A_22, %add3A_28 : vector<256x256xf32>
    %max3A = arith.constant 0.000000e+00 : f32
    %max3A_30 = vector.broadcast %max3A : f32 to vector<256x256xf32>
    %max3A_31 = arith.maximumf %add3A_29, %max3A_30 : vector<256x256xf32>
    %swap3A = arith.constant 0 : index
    %swap3A_32 = arith.constant 0 : index
    %swap3A_33 = vector.load %arg12[%swap3A, %swap3A_32] : memref<1024x256xf32, #tpu.memory_space<vmem>>, vector<256x256xf32>
    tpu.vector_store %arg12[%swap3A, %swap3A_32], %max3A_31 {strides = array<i32>} : memref<1024x256xf32, #tpu.memory_space<vmem>>, vector<256x256xf32>,
    %mul3A_34 = arith.constant 4 : i32
    %mul3A_35 = arith.muli %arg0, %mul3A_34 : i32
    %add3A_36 = arith.constant 1 : i32
    %add3A_37 = arith.addi %mul3A_35, %add3A_36 : i32
    %get3A_38 = arith.constant 0 : index
    %get3A_39 = arith.index_cast %add3A_37 : i32 to index
    %get3A_40 = arith.constant 0 : index
    %get3A_41 = vector.load %arg1[%get3A_38, %get3A_39, %get3A_40] : memref<5x256x128xf32, #tpu.memory_space<vmem>>, vector<1x1x128xf32>
    %get3A_42 = vector.shape_cast %get3A_41 : vector<1x1x128xf32> to vector<1x128xf32>
    %convert_element_type3A_43 = arith.truncf %get3A_42 : vector<1x128xf32> to vector<1x128xbf16>
    %concatenate3A_44 = tpu.concatenate %convert_element_type3A_43, %broadcast_in_dim3A_2 in 1 : vector<1x128xbf16>, vector<1x128xbf16> -> vector<1x256xbf16>
    %get3A_45 = arith.constant 0 : index
    %get3A_46 = arith.constant 0 : index
    %get3A_47 = arith.constant 0 : index
    %get3A_48 = vector.load %arg18[%get3A_45, %get3A_46, %get3A_47] : memref<5x256x256xbf16, #tpu.memory_space<vmem>>, vector<1x256x256xbf16>
    %get3A_49 = vector.shape_cast %get3A_48 : vector<1x256x256xbf16> to vector<256x256xbf16>
    %mul3A_50 = vector.broadcast %concatenate3A_44 : vector<1x256xbf16> to vector<256x256xbf16>
    %mul3A_51 = arith.mulf %get3A_49, %mul3A_50 : vector<256x256xbf16>
    %get3A_52 = arith.constant 0 : index
    %get3A_53 = arith.constant 0 : index
    %get3A_54 = arith.constant 0 : index
    %get3A_55 = vector.load %arg19[%get3A_52, %get3A_53, %get3A_54] : memref<5x256x256xbf16, #tpu.memory_space<vmem>>, vector<1x256x256xbf16>
    %get3A_56 = vector.shape_cast %get3A_55 : vector<1x256x256xbf16> to vector<256x256xbf16>
    %dot_general3A_57 = arith.constant dense<0.000000e+00> : vector<256x256xf32>
    %dot_general3A_58 = tpu.matmul %mul3A_51, %get3A_56, %dot_general3A_57 {dimension_numbers = #tpu.dot_dimension_numbers<[1], [1], [0], [0], [0, 0, 1, 0], [], []>, transpose_lhs_hint = false} : vector<256x256xbf16>, vector<256x256xbf16>, vector<256x256xf32> -> vector<256x256xf32>
    %get3A_59 = arith.constant 0 : index
    %get3A_60 = arith.index_cast %add3A_37 : i32 to index
    %get3A_61 = arith.constant 0 : index
    %get3A_62 = vector.load %arg17[%get3A_59, %get3A_60, %get3A_61] : memref<5x256x256xf32, #tpu.memory_space<vmem>>, vector<1x1x256xf32>
    %get3A_63 = vector.shape_cast %get3A_62 : vector<1x1x256xf32> to vector<1x256xf32>
    %add3A_64 = vector.broadcast %get3A_63 : vector<1x256xf32> to vector<256x256xf32>
    %add3A_65 = arith.addf %dot_general3A_58, %add3A_64 : vector<256x256xf32>
    %max3A_66 = arith.constant 0.000000e+00 : f32
    %max3A_67 = vector.broadcast %max3A_66 : f32 to vector<256x256xf32>
    %max3A_68 = arith.maximumf %add3A_65, %max3A_67 : vector<256x256xf32>
    %swap3A_69 = arith.constant 256 : index
    %swap3A_70 = arith.constant 0 : index
    %swap3A_71 = vector.load %arg12[%swap3A_69, %swap3A_70] : memref<1024x256xf32, #tpu.memory_space<vmem>>, vector<256x256xf32>
    tpu.vector_store %arg12[%swap3A_69, %swap3A_70], %max3A_68 {strides = array<i32>} : memref<1024x256xf32, #tpu.memory_space<vmem>>, vector<256x256xf32>,
    %mul3A_72 = arith.constant 4 : i32
    %mul3A_73 = arith.muli %arg0, %mul3A_72 : i32
    %add3A_74 = arith.constant 2 : i32
    %add3A_75 = arith.addi %mul3A_73, %add3A_74 : i32
    %get3A_76 = arith.constant 0 : index
    %get3A_77 = arith.index_cast %add3A_75 : i32 to index
    %get3A_78 = arith.constant 0 : index
    %get3A_79 = vector.load %arg1[%get3A_76, %get3A_77, %get3A_78] : memref<5x256x128xf32, #tpu.memory_space<vmem>>, vector<1x1x128xf32>
    %get3A_80 = vector.shape_cast %get3A_79 : vector<1x1x128xf32> to vector<1x128xf32>
    %convert_element_type3A_81 = arith.truncf %get3A_80 : vector<1x128xf32> to vector<1x128xbf16>
    %concatenate3A_82 = tpu.concatenate %convert_element_type3A_81, %broadcast_in_dim3A_2 in 1 : vector<1x128xbf16>, vector<1x128xbf16> -> vector<1x256xbf16>
    %get3A_83 = arith.constant 0 : index
    %get3A_84 = arith.constant 0 : index
    %get3A_85 = arith.constant 0 : index
    %get3A_86 = vector.load %arg18[%get3A_83, %get3A_84, %get3A_85] : memref<5x256x256xbf16, #tpu.memory_space<vmem>>, vector<1x256x256xbf16>
    %get3A_87 = vector.shape_cast %get3A_86 : vector<1x256x256xbf16> to vector<256x256xbf16>
    %mul3A_88 = vector.broadcast %concatenate3A_82 : vector<1x256xbf16> to vector<256x256xbf16>
    %mul3A_89 = arith.mulf %get3A_87, %mul3A_88 : vector<256x256xbf16>
    %get3A_90 = arith.constant 0 : index
    %get3A_91 = arith.constant 0 : index
    %get3A_92 = arith.constant 0 : index
    %get3A_93 = vector.load %arg19[%get3A_90, %get3A_91, %get3A_92] : memref<5x256x256xbf16, #tpu.memory_space<vmem>>, vector<1x256x256xbf16>
    %get3A_94 = vector.shape_cast %get3A_93 : vector<1x256x256xbf16> to vector<256x256xbf16>
    %dot_general3A_95 = arith.constant dense<0.000000e+00> : vector<256x256xf32>
    %dot_general3A_96 = tpu.matmul %mul3A_89, %get3A_94, %dot_general3A_95 {dimension_numbers = #tpu.dot_dimension_numbers<[1], [1], [0], [0], [0, 0, 1, 0], [], []>, transpose_lhs_hint = false} : vector<256x256xbf16>, vector<256x256xbf16>, vector<256x256xf32> -> vector<256x256xf32>
    %get3A_97 = arith.constant 0 : index
    %get3A_98 = arith.index_cast %add3A_75 : i32 to index
    %get3A_99 = arith.constant 0 : index
    %get3A_100 = vector.load %arg17[%get3A_97, %get3A_98, %get3A_99] : memref<5x256x256xf32, #tpu.memory_space<vmem>>, vector<1x1x256xf32>
    %get3A_101 = vector.shape_cast %get3A_100 : vector<1x1x256xf32> to vector<1x256xf32>
    %add3A_102 = vector.broadcast %get3A_101 : vector<1x256xf32> to vector<256x256xf32>
    %add3A_103 = arith.addf %dot_general3A_96, %add3A_102 : vector<256x256xf32>
    %max3A_104 = arith.constant 0.000000e+00 : f32
    %max3A_105 = vector.broadcast %max3A_104 : f32 to vector<256x256xf32>
    %max3A_106 = arith.maximumf %add3A_103, %max3A_105 : vector<256x256xf32>
    %swap3A_107 = arith.constant 512 : index
    %swap3A_108 = arith.constant 0 : index
    %swap3A_109 = vector.load %arg12[%swap3A_107, %swap3A_108] : memref<1024x256xf32, #tpu.memory_space<vmem>>, vector<256x256xf32>
    tpu.vector_store %arg12[%swap3A_107, %swap3A_108], %max3A_106 {strides = array<i32>} : memref<1024x256xf32, #tpu.memory_space<vmem>>, vector<256x256xf32>,
    %mul3A_110 = arith.constant 4 : i32
    %mul3A_111 = arith.muli %arg0, %mul3A_110 : i32
    %add3A_112 = arith.constant 3 : i32
    %add3A_113 = arith.addi %mul3A_111, %add3A_112 : i32
    %get3A_114 = arith.constant 0 : index
    %get3A_115 = arith.index_cast %add3A_113 : i32 to index
    %get3A_116 = arith.constant 0 : index
    %get3A_117 = vector.load %arg1[%get3A_114, %get3A_115, %get3A_116] : memref<5x256x128xf32, #tpu.memory_space<vmem>>, vector<1x1x128xf32>
    %get3A_118 = vector.shape_cast %get3A_117 : vector<1x1x128xf32> to vector<1x128xf32>
    %convert_element_type3A_119 = arith.truncf %get3A_118 : vector<1x128xf32> to vector<1x128xbf16>
    %concatenate3A_120 = tpu.concatenate %convert_element_type3A_119, %broadcast_in_dim3A_2 in 1 : vector<1x128xbf16>, vector<1x128xbf16> -> vector<1x256xbf16>
    %get3A_121 = arith.constant 0 : index
    %get3A_122 = arith.constant 0 : index
    %get3A_123 = arith.constant 0 : index
    %get3A_124 = vector.load %arg18[%get3A_121, %get3A_122, %get3A_123] : memref<5x256x256xbf16, #tpu.memory_space<vmem>>, vector<1x256x256xbf16>
    %get3A_125 = vector.shape_cast %get3A_124 : vector<1x256x256xbf16> to vector<256x256xbf16>
    %mul3A_126 = vector.broadcast %concatenate3A_120 : vector<1x256xbf16> to vector<256x256xbf16>
    %mul3A_127 = arith.mulf %get3A_125, %mul3A_126 : vector<256x256xbf16>
    %get3A_128 = arith.constant 0 : index
    %get3A_129 = arith.constant 0 : index
    %get3A_130 = arith.constant 0 : index
    %get3A_131 = vector.load %arg19[%get3A_128, %get3A_129, %get3A_130] : memref<5x256x256xbf16, #tpu.memory_space<vmem>>, vector<1x256x256xbf16>
    %get3A_132 = vector.shape_cast %get3A_131 : vector<1x256x256xbf16> to vector<256x256xbf16>
    %dot_general3A_133 = arith.constant dense<0.000000e+00> : vector<256x256xf32>
    %dot_general3A_134 = tpu.matmul %mul3A_127, %get3A_132, %dot_general3A_133 {dimension_numbers = #tpu.dot_dimension_numbers<[1], [1], [0], [0], [0, 0, 1, 0], [], []>, transpose_lhs_hint = false} : vector<256x256xbf16>, vector<256x256xbf16>, vector<256x256xf32> -> vector<256x256xf32>
    %get3A_135 = arith.constant 0 : index
    %get3A_136 = arith.index_cast %add3A_113 : i32 to index
    %get3A_137 = arith.constant 0 : index
    %get3A_138 = vector.load %arg17[%get3A_135, %get3A_136, %get3A_137] : memref<5x256x256xf32, #tpu.memory_space<vmem>>, vector<1x1x256xf32>
    %get3A_139 = vector.shape_cast %get3A_138 : vector<1x1x256xf32> to vector<1x256xf32>
    %add3A_140 = vector.broadcast %get3A_139 : vector<1x256xf32> to vector<256x256xf32>
    %add3A_141 = arith.addf %dot_general3A_134, %add3A_140 : vector<256x256xf32>
    %max3A_142 = arith.constant 0.000000e+00 : f32
    %max3A_143 = vector.broadcast %max3A_142 : f32 to vector<256x256xf32>
    %max3A_144 = arith.maximumf %add3A_141, %max3A_143 : vector<256x256xf32>
    %swap3A_145 = arith.constant 768 : index
    %swap3A_146 = arith.constant 0 : index
    %swap3A_147 = vector.load %arg12[%swap3A_145, %swap3A_146] : memref<1024x256xf32, #tpu.memory_space<vmem>>, vector<256x256xf32>
    tpu.vector_store %arg12[%swap3A_145, %swap3A_146], %max3A_144 {strides = array<i32>} : memref<1024x256xf32, #tpu.memory_space<vmem>>, vector<256x256xf32>,
    %mul3A_148 = arith.constant 4 : i32
    %mul3A_149 = arith.muli %arg0, %mul3A_148 : i32
    %add3A_150 = arith.constant 0 : i32
    %add3A_151 = arith.addi %mul3A_149, %add3A_150 : i32
    %get3A_152 = arith.constant 1 : index
    %get3A_153 = arith.index_cast %add3A_151 : i32 to index
    %get3A_154 = arith.constant 0 : index
    %get3A_155 = vector.load %arg1[%get3A_152, %get3A_153, %get3A_154] : memref<5x256x128xf32, #tpu.memory_space<vmem>>, vector<1x1x128xf32>
    %get3A_156 = vector.shape_cast %get3A_155 : vector<1x1x128xf32> to vector<1x128xf32>
    %convert_element_type3A_157 = arith.truncf %get3A_156 : vector<1x128xf32> to vector<1x128xbf16>
    %concatenate3A_158 = tpu.concatenate %convert_element_type3A_157, %broadcast_in_dim3A_2 in 1 : vector<1x128xbf16>, vector<1x128xbf16> -> vector<1x256xbf16>
    %get3A_159 = arith.constant 1 : index
    %get3A_160 = arith.constant 0 : index
    %get3A_161 = arith.constant 0 : index
    %get3A_162 = vector.load %arg18[%get3A_159, %get3A_160, %get3A_161] : memref<5x256x256xbf16, #tpu.memory_space<vmem>>, vector<1x256x256xbf16>
    %get3A_163 = vector.shape_cast %get3A_162 : vector<1x256x256xbf16> to vector<256x256xbf16>
    %mul3A_164 = vector.broadcast %concatenate3A_158 : vector<1x256xbf16> to vector<256x256xbf16>
    %mul3A_165 = arith.mulf %get3A_163, %mul3A_164 : vector<256x256xbf16>
    %get3A_166 = arith.constant 1 : index
    %get3A_167 = arith.constant 0 : index
    %get3A_168 = arith.constant 0 : index
    %get3A_169 = vector.load %arg19[%get3A_166, %get3A_167, %get3A_168] : memref<5x256x256xbf16, #tpu.memory_space<vmem>>, vector<1x256x256xbf16>
    %get3A_170 = vector.shape_cast %get3A_169 : vector<1x256x256xbf16> to vector<256x256xbf16>
    %dot_general3A_171 = arith.constant dense<0.000000e+00> : vector<256x256xf32>
    %dot_general3A_172 = tpu.matmul %mul3A_165, %get3A_170, %dot_general3A_171 {dimension_numbers = #tpu.dot_dimension_numbers<[1], [1], [0], [0], [0, 0, 1, 0], [], []>, transpose_lhs_hint = false} : vector<256x256xbf16>, vector<256x256xbf16>, vector<256x256xf32> -> vector<256x256xf32>
    %get3A_173 = arith.constant 1 : index
    %get3A_174 = arith.index_cast %add3A_151 : i32 to index
    %get3A_175 = arith.constant 0 : index
    %get3A_176 = vector.load %arg17[%get3A_173, %get3A_174, %get3A_175] : memref<5x256x256xf32, #tpu.memory_space<vmem>>, vector<1x1x256xf32>
    %get3A_177 = vector.shape_cast %get3A_176 : vector<1x1x256xf32> to vector<1x256xf32>
    %add3A_178 = vector.broadcast %get3A_177 : vector<1x256xf32> to vector<256x256xf32>
    %add3A_179 = arith.addf %dot_general3A_172, %add3A_178 : vector<256x256xf32>
    %max3A_180 = arith.constant 0.000000e+00 : f32
    %max3A_181 = vector.broadcast %max3A_180 : f32 to vector<256x256xf32>
    %max3A_182 = arith.maximumf %add3A_179, %max3A_181 : vector<256x256xf32>
    %swap3A_183 = arith.constant 0 : index
    %swap3A_184 = arith.constant 0 : index
    %swap3A_185 = vector.load %arg13[%swap3A_183, %swap3A_184] : memref<1024x256xf32, #tpu.memory_space<vmem>>, vector<256x256xf32>
    tpu.vector_store %arg13[%swap3A_183, %swap3A_184], %max3A_182 {strides = array<i32>} : memref<1024x256xf32, #tpu.memory_space<vmem>>, vector<256x256xf32>,
    %mul3A_186 = arith.constant 4 : i32
    %mul3A_187 = arith.muli %arg0, %mul3A_186 : i32
    %add3A_188 = arith.constant 1 : i32
    %add3A_189 = arith.addi %mul3A_187, %add3A_188 : i32
    %get3A_190 = arith.constant 1 : index
    %get3A_191 = arith.index_cast %add3A_189 : i32 to index
    %get3A_192 = arith.constant 0 : index
    %get3A_193 = vector.load %arg1[%get3A_190, %get3A_191, %get3A_192] : memref<5x256x128xf32, #tpu.memory_space<vmem>>, vector<1x1x128xf32>
    %get3A_194 = vector.shape_cast %get3A_193 : vector<1x1x128xf32> to vector<1x128xf32>
    %convert_element_type3A_195 = arith.truncf %get3A_194 : vector<1x128xf32> to vector<1x128xbf16>
    %concatenate3A_196 = tpu.concatenate %convert_element_type3A_195, %broadcast_in_dim3A_2 in 1 : vector<1x128xbf16>, vector<1x128xbf16> -> vector<1x256xbf16>
    %get3A_197 = arith.constant 1 : index
    %get3A_198 = arith.constant 0 : index
    %get3A_199 = arith.constant 0 : index
    %get3A_200 = vector.load %arg18[%get3A_197, %get3A_198, %get3A_199] : memref<5x256x256xbf16, #tpu.memory_space<vmem>>, vector<1x256x256xbf16>
    %get3A_201 = vector.shape_cast %get3A_200 : vector<1x256x256xbf16> to vector<256x256xbf16>
    %mul3A_202 = vector.broadcast %concatenate3A_196 : vector<1x256xbf16> to vector<256x256xbf16>
    %mul3A_203 = arith.mulf %get3A_201, %mul3A_202 : vector<256x256xbf16>
    %get3A_204 = arith.constant 1 : index
    %get3A_205 = arith.constant 0 : index
    %get3A_206 = arith.constant 0 : index
    %get3A_207 = vector.load %arg19[%get3A_204, %get3A_205, %get3A_206] : memref<5x256x256xbf16, #tpu.memory_space<vmem>>, vector<1x256x256xbf16>
    %get3A_208 = vector.shape_cast %get3A_207 : vector<1x256x256xbf16> to vector<256x256xbf16>
    %dot_general3A_209 = arith.constant dense<0.000000e+00> : vector<256x256xf32>
    %dot_general3A_210 = tpu.matmul %mul3A_203, %get3A_208, %dot_general3A_209 {dimension_numbers = #tpu.dot_dimension_numbers<[1], [1], [0], [0], [0, 0, 1, 0], [], []>, transpose_lhs_hint = false} : vector<256x256xbf16>, vector<256x256xbf16>, vector<256x256xf32> -> vector<256x256xf32>
    %get3A_211 = arith.constant 1 : index
    %get3A_212 = arith.index_cast %add3A_189 : i32 to index
    %get3A_213 = arith.constant 0 : index
    %get3A_214 = vector.load %arg17[%get3A_211, %get3A_212, %get3A_213] : memref<5x256x256xf32, #tpu.memory_space<vmem>>, vector<1x1x256xf32>
    %get3A_215 = vector.shape_cast %get3A_214 : vector<1x1x256xf32> to vector<1x256xf32>
    %add3A_216 = vector.broadcast %get3A_215 : vector<1x256xf32> to vector<256x256xf32>
    %add3A_217 = arith.addf %dot_general3A_210, %add3A_216 : vector<256x256xf32>
    %max3A_218 = arith.constant 0.000000e+00 : f32
    %max3A_219 = vector.broadcast %max3A_218 : f32 to vector<256x256xf32>
    %max3A_220 = arith.maximumf %add3A_217, %max3A_219 : vector<256x256xf32>
    %swap3A_221 = arith.constant 256 : index
    %swap3A_222 = arith.constant 0 : index
    %swap3A_223 = vector.load %arg13[%swap3A_221, %swap3A_222] : memref<1024x256xf32, #tpu.memory_space<vmem>>, vector<256x256xf32>
    tpu.vector_store %arg13[%swap3A_221, %swap3A_222], %max3A_220 {strides = array<i32>} : memref<1024x256xf32, #tpu.memory_space<vmem>>, vector<256x256xf32>,
    %mul3A_224 = arith.constant 4 : i32
    %mul3A_225 = arith.muli %arg0, %mul3A_224 : i32
    %add3A_226 = arith.constant 2 : i32
    %add3A_227 = arith.addi %mul3A_225, %add3A_226 : i32
    %get3A_228 = arith.constant 1 : index
    %get3A_229 = arith.index_cast %add3A_227 : i32 to index
    %get3A_230 = arith.constant 0 : index
    %get3A_231 = vector.load %arg1[%get3A_228, %get3A_229, %get3A_230] : memref<5x256x128xf32, #tpu.memory_space<vmem>>, vector<1x1x128xf32>
    %get3A_232 = vector.shape_cast %get3A_231 : vector<1x1x128xf32> to vector<1x128xf32>
    %convert_element_type3A_233 = arith.truncf %get3A_232 : vector<1x128xf32> to vector<1x128xbf16>
    %concatenate3A_234 = tpu.concatenate %convert_element_type3A_233, %broadcast_in_dim3A_2 in 1 : vector<1x128xbf16>, vector<1x128xbf16> -> vector<1x256xbf16>
    %get3A_235 = arith.constant 1 : index
    %get3A_236 = arith.constant 0 : index
    %get3A_237 = arith.constant 0 : index
    %get3A_238 = vector.load %arg18[%get3A_235, %get3A_236, %get3A_237] : memref<5x256x256xbf16, #tpu.memory_space<vmem>>, vector<1x256x256xbf16>
    %get3A_239 = vector.shape_cast %get3A_238 : vector<1x256x256xbf16> to vector<256x256xbf16>
    %mul3A_240 = vector.broadcast %concatenate3A_234 : vector<1x256xbf16> to vector<256x256xbf16>
    %mul3A_241 = arith.mulf %get3A_239, %mul3A_240 : vector<256x256xbf16>
    %get3A_242 = arith.constant 1 : index
    %get3A_243 = arith.constant 0 : index
    %get3A_244 = arith.constant 0 : index
    %get3A_245 = vector.load %arg19[%get3A_242, %get3A_243, %get3A_244] : memref<5x256x256xbf16, #tpu.memory_space<vmem>>, vector<1x256x256xbf16>
    %get3A_246 = vector.shape_cast %get3A_245 : vector<1x256x256xbf16> to vector<256x256xbf16>
    %dot_general3A_247 = arith.constant dense<0.000000e+00> : vector<256x256xf32>
    %dot_general3A_248 = tpu.matmul %mul3A_241, %get3A_246, %dot_general3A_247 {dimension_numbers = #tpu.dot_dimension_numbers<[1], [1], [0], [0], [0, 0, 1, 0], [], []>, transpose_lhs_hint = false} : vector<256x256xbf16>, vector<256x256xbf16>, vector<256x256xf32> -> vector<256x256xf32>
    %get3A_249 = arith.constant 1 : index
    %get3A_250 = arith.index_cast %add3A_227 : i32 to index
    %get3A_251 = arith.constant 0 : index
    %get3A_252 = vector.load %arg17[%get3A_249, %get3A_250, %get3A_251] : memref<5x256x256xf32, #tpu.memory_space<vmem>>, vector<1x1x256xf32>
    %get3A_253 = vector.shape_cast %get3A_252 : vector<1x1x256xf32> to vector<1x256xf32>
    %add3A_254 = vector.broadcast %get3A_253 : vector<1x256xf32> to vector<256x256xf32>
    %add3A_255 = arith.addf %dot_general3A_248, %add3A_254 : vector<256x256xf32>
    %max3A_256 = arith.constant 0.000000e+00 : f32
    %max3A_257 = vector.broadcast %max3A_256 : f32 to vector<256x256xf32>
    %max3A_258 = arith.maximumf %add3A_255, %max3A_257 : vector<256x256xf32>
    %swap3A_259 = arith.constant 512 : index
    %swap3A_260 = arith.constant 0 : index
    %swap3A_261 = vector.load %arg13[%swap3A_259, %swap3A_260] : memref<1024x256xf32, #tpu.memory_space<vmem>>, vector<256x256xf32>
    tpu.vector_store %arg13[%swap3A_259, %swap3A_260], %max3A_258 {strides = array<i32>} : memref<1024x256xf32, #tpu.memory_space<vmem>>, vector<256x256xf32>,
    %mul3A_262 = arith.constant 4 : i32
    %mul3A_263 = arith.muli %arg0, %mul3A_262 : i32
    %add3A_264 = arith.constant 3 : i32
    %add3A_265 = arith.addi %mul3A_263, %add3A_264 : i32
    %get3A_266 = arith.constant 1 : index
    %get3A_267 = arith.index_cast %add3A_265 : i32 to index
    %get3A_268 = arith.constant 0 : index
    %get3A_269 = vector.load %arg1[%get3A_266, %get3A_267, %get3A_268] : memref<5x256x128xf32, #tpu.memory_space<vmem>>, vector<1x1x128xf32>
    %get3A_270 = vector.shape_cast %get3A_269 : vector<1x1x128xf32> to vector<1x128xf32>
    %convert_element_type3A_271 = arith.truncf %get3A_270 : vector<1x128xf32> to vector<1x128xbf16>
    %concatenate3A_272 = tpu.concatenate %convert_element_type3A_271, %broadcast_in_dim3A_2 in 1 : vector<1x128xbf16>, vector<1x128xbf16> -> vector<1x256xbf16>
    %get3A_273 = arith.constant 1 : index
    %get3A_274 = arith.constant 0 : index
    %get3A_275 = arith.constant 0 : index
    %get3A_276 = vector.load %arg18[%get3A_273, %get3A_274, %get3A_275] : memref<5x256x256xbf16, #tpu.memory_space<vmem>>, vector<1x256x256xbf16>
    %get3A_277 = vector.shape_cast %get3A_276 : vector<1x256x256xbf16> to vector<256x256xbf16>
    %mul3A_278 = vector.broadcast %concatenate3A_272 : vector<1x256xbf16> to vector<256x256xbf16>
    %mul3A_279 = arith.mulf %get3A_277, %mul3A_278 : vector<256x256xbf16>
    %get3A_280 = arith.constant 1 : index
    %get3A_281 = arith.constant 0 : index
    %get3A_282 = arith.constant 0 : index
    %get3A_283 = vector.load %arg19[%get3A_280, %get3A_281, %get3A_282] : memref<5x256x256xbf16, #tpu.memory_space<vmem>>, vector<1x256x256xbf16>
    %get3A_284 = vector.shape_cast %get3A_283 : vector<1x256x256xbf16> to vector<256x256xbf16>
    %dot_general3A_285 = arith.constant dense<0.000000e+00> : vector<256x256xf32>
    %dot_general3A_286 = tpu.matmul %mul3A_279, %get3A_284, %dot_general3A_285 {dimension_numbers = #tpu.dot_dimension_numbers<[1], [1], [0], [0], [0, 0, 1, 0], [], []>, transpose_lhs_hint = false} : vector<256x256xbf16>, vector<256x256xbf16>, vector<256x256xf32> -> vector<256x256xf32>
    %get3A_287 = arith.constant 1 : index
    %get3A_288 = arith.index_cast %add3A_265 : i32 to index
    %get3A_289 = arith.constant 0 : index
    %get3A_290 = vector.load %arg17[%get3A_287, %get3A_288, %get3A_289] : memref<5x256x256xf32, #tpu.memory_space<vmem>>, vector<1x1x256xf32>
    %get3A_291 = vector.shape_cast %get3A_290 : vector<1x1x256xf32> to vector<1x256xf32>
    %add3A_292 = vector.broadcast %get3A_291 : vector<1x256xf32> to vector<256x256xf32>
    %add3A_293 = arith.addf %dot_general3A_286, %add3A_292 : vector<256x256xf32>
    %max3A_294 = arith.constant 0.000000e+00 : f32
    %max3A_295 = vector.broadcast %max3A_294 : f32 to vector<256x256xf32>
    %max3A_296 = arith.maximumf %add3A_293, %max3A_295 : vector<256x256xf32>
    %swap3A_297 = arith.constant 768 : index
    %swap3A_298 = arith.constant 0 : index
    %swap3A_299 = vector.load %arg13[%swap3A_297, %swap3A_298] : memref<1024x256xf32, #tpu.memory_space<vmem>>, vector<256x256xf32>
    tpu.vector_store %arg13[%swap3A_297, %swap3A_298], %max3A_296 {strides = array<i32>} : memref<1024x256xf32, #tpu.memory_space<vmem>>, vector<256x256xf32>,
    %mul3A_300 = arith.constant 4 : i32
    %mul3A_301 = arith.muli %arg0, %mul3A_300 : i32
    %add3A_302 = arith.constant 0 : i32
    %add3A_303 = arith.addi %mul3A_301, %add3A_302 : i32
    %get3A_304 = arith.constant 2 : index
    %get3A_305 = arith.index_cast %add3A_303 : i32 to index
    %get3A_306 = arith.constant 0 : index
    %get3A_307 = vector.load %arg1[%get3A_304, %get3A_305, %get3A_306] : memref<5x256x128xf32, #tpu.memory_space<vmem>>, vector<1x1x128xf32>
    %get3A_308 = vector.shape_cast %get3A_307 : vector<1x1x128xf32> to vector<1x128xf32>
    %convert_element_type3A_309 = arith.truncf %get3A_308 : vector<1x128xf32> to vector<1x128xbf16>
    %concatenate3A_310 = tpu.concatenate %convert_element_type3A_309, %broadcast_in_dim3A_2 in 1 : vector<1x128xbf16>, vector<1x128xbf16> -> vector<1x256xbf16>
    %get3A_311 = arith.constant 2 : index
    %get3A_312 = arith.constant 0 : index
    %get3A_313 = arith.constant 0 : index
    %get3A_314 = vector.load %arg18[%get3A_311, %get3A_312, %get3A_313] : memref<5x256x256xbf16, #tpu.memory_space<vmem>>, vector<1x256x256xbf16>
    %get3A_315 = vector.shape_cast %get3A_314 : vector<1x256x256xbf16> to vector<256x256xbf16>
    %mul3A_316 = vector.broadcast %concatenate3A_310 : vector<1x256xbf16> to vector<256x256xbf16>
    %mul3A_317 = arith.mulf %get3A_315, %mul3A_316 : vector<256x256xbf16>
    %get3A_318 = arith.constant 2 : index
    %get3A_319 = arith.constant 0 : index
    %get3A_320 = arith.constant 0 : index
    %get3A_321 = vector.load %arg19[%get3A_318, %get3A_319, %get3A_320] : memref<5x256x256xbf16, #tpu.memory_space<vmem>>, vector<1x256x256xbf16>
    %get3A_322 = vector.shape_cast %get3A_321 : vector<1x256x256xbf16> to vector<256x256xbf16>
    %dot_general3A_323 = arith.constant dense<0.000000e+00> : vector<256x256xf32>
    %dot_general3A_324 = tpu.matmul %mul3A_317, %get3A_322, %dot_general3A_323 {dimension_numbers = #tpu.dot_dimension_numbers<[1], [1], [0], [0], [0, 0, 1, 0], [], []>, transpose_lhs_hint = false} : vector<256x256xbf16>, vector<256x256xbf16>, vector<256x256xf32> -> vector<256x256xf32>
    %get3A_325 = arith.constant 2 : index
    %get3A_326 = arith.index_cast %add3A_303 : i32 to index
    %get3A_327 = arith.constant 0 : index
    %get3A_328 = vector.load %arg17[%get3A_325, %get3A_326, %get3A_327] : memref<5x256x256xf32, #tpu.memory_space<vmem>>, vector<1x1x256xf32>
    %get3A_329 = vector.shape_cast %get3A_328 : vector<1x1x256xf32> to vector<1x256xf32>
    %add3A_330 = vector.broadcast %get3A_329 : vector<1x256xf32> to vector<256x256xf32>
    %add3A_331 = arith.addf %dot_general3A_324, %add3A_330 : vector<256x256xf32>
    %max3A_332 = arith.constant 0.000000e+00 : f32
    %max3A_333 = vector.broadcast %max3A_332 : f32 to vector<256x256xf32>
    %max3A_334 = arith.maximumf %add3A_331, %max3A_333 : vector<256x256xf32>
    %swap3A_335 = arith.constant 0 : index
    %swap3A_336 = arith.constant 0 : index
    %swap3A_337 = vector.load %arg14[%swap3A_335, %swap3A_336] : memref<1024x256xf32, #tpu.memory_space<vmem>>, vector<256x256xf32>
    tpu.vector_store %arg14[%swap3A_335, %swap3A_336], %max3A_334 {strides = array<i32>} : memref<1024x256xf32, #tpu.memory_space<vmem>>, vector<256x256xf32>,
    %mul3A_338 = arith.constant 4 : i32
    %mul3A_339 = arith.muli %arg0, %mul3A_338 : i32
    %add3A_340 = arith.constant 1 : i32
    %add3A_341 = arith.addi %mul3A_339, %add3A_340 : i32
    %get3A_342 = arith.constant 2 : index
    %get3A_343 = arith.index_cast %add3A_341 : i32 to index
    %get3A_344 = arith.constant 0 : index
    %get3A_345 = vector.load %arg1[%get3A_342, %get3A_343, %get3A_344] : memref<5x256x128xf32, #tpu.memory_space<vmem>>, vector<1x1x128xf32>
    %get3A_346 = vector.shape_cast %get3A_345 : vector<1x1x128xf32> to vector<1x128xf32>
    %convert_element_type3A_347 = arith.truncf %get3A_346 : vector<1x128xf32> to vector<1x128xbf16>
    %concatenate3A_348 = tpu.concatenate %convert_element_type3A_347, %broadcast_in_dim3A_2 in 1 : vector<1x128xbf16>, vector<1x128xbf16> -> vector<1x256xbf16>
    %get3A_349 = arith.constant 2 : index
    %get3A_350 = arith.constant 0 : index
    %get3A_351 = arith.constant 0 : index
    %get3A_352 = vector.load %arg18[%get3A_349, %get3A_350, %get3A_351] : memref<5x256x256xbf16, #tpu.memory_space<vmem>>, vector<1x256x256xbf16>
    %get3A_353 = vector.shape_cast %get3A_352 : vector<1x256x256xbf16> to vector<256x256xbf16>
    %mul3A_354 = vector.broadcast %concatenate3A_348 : vector<1x256xbf16> to vector<256x256xbf16>
    %mul3A_355 = arith.mulf %get3A_353, %mul3A_354 : vector<256x256xbf16>
    %get3A_356 = arith.constant 2 : index
    %get3A_357 = arith.constant 0 : index
    %get3A_358 = arith.constant 0 : index
    %get3A_359 = vector.load %arg19[%get3A_356, %get3A_357, %get3A_358] : memref<5x256x256xbf16, #tpu.memory_space<vmem>>, vector<1x256x256xbf16>
    %get3A_360 = vector.shape_cast %get3A_359 : vector<1x256x256xbf16> to vector<256x256xbf16>
    %dot_general3A_361 = arith.constant dense<0.000000e+00> : vector<256x256xf32>
    %dot_general3A_362 = tpu.matmul %mul3A_355, %get3A_360, %dot_general3A_361 {dimension_numbers = #tpu.dot_dimension_numbers<[1], [1], [0], [0], [0, 0, 1, 0], [], []>, transpose_lhs_hint = false} : vector<256x256xbf16>, vector<256x256xbf16>, vector<256x256xf32> -> vector<256x256xf32>
    %get3A_363 = arith.constant 2 : index
    %get3A_364 = arith.index_cast %add3A_341 : i32 to index
    %get3A_365 = arith.constant 0 : index
    %get3A_366 = vector.load %arg17[%get3A_363, %get3A_364, %get3A_365] : memref<5x256x256xf32, #tpu.memory_space<vmem>>, vector<1x1x256xf32>
    %get3A_367 = vector.shape_cast %get3A_366 : vector<1x1x256xf32> to vector<1x256xf32>
    %add3A_368 = vector.broadcast %get3A_367 : vector<1x256xf32> to vector<256x256xf32>
    %add3A_369 = arith.addf %dot_general3A_362, %add3A_368 : vector<256x256xf32>
    %max3A_370 = arith.constant 0.000000e+00 : f32
    %max3A_371 = vector.broadcast %max3A_370 : f32 to vector<256x256xf32>
    %max3A_372 = arith.maximumf %add3A_369, %max3A_371 : vector<256x256xf32>
    %swap3A_373 = arith.constant 256 : index
    %swap3A_374 = arith.constant 0 : index
    %swap3A_375 = vector.load %arg14[%swap3A_373, %swap3A_374] : memref<1024x256xf32, #tpu.memory_space<vmem>>, vector<256x256xf32>
    tpu.vector_store %arg14[%swap3A_373, %swap3A_374], %max3A_372 {strides = array<i32>} : memref<1024x256xf32, #tpu.memory_space<vmem>>, vector<256x256xf32>,
    %mul3A_376 = arith.constant 4 : i32
    %mul3A_377 = arith.muli %arg0, %mul3A_376 : i32
    %add3A_378 = arith.constant 2 : i32
    %add3A_379 = arith.addi %mul3A_377, %add3A_378 : i32
    %get3A_380 = arith.constant 2 : index
    %get3A_381 = arith.index_cast %add3A_379 : i32 to index
    %get3A_382 = arith.constant 0 : index
    %get3A_383 = vector.load %arg1[%get3A_380, %get3A_381, %get3A_382] : memref<5x256x128xf32, #tpu.memory_space<vmem>>, vector<1x1x128xf32>
    %get3A_384 = vector.shape_cast %get3A_383 : vector<1x1x128xf32> to vector<1x128xf32>
    %convert_element_type3A_385 = arith.truncf %get3A_384 : vector<1x128xf32> to vector<1x128xbf16>
    %concatenate3A_386 = tpu.concatenate %convert_element_type3A_385, %broadcast_in_dim3A_2 in 1 : vector<1x128xbf16>, vector<1x128xbf16> -> vector<1x256xbf16>
    %get3A_387 = arith.constant 2 : index
    %get3A_388 = arith.constant 0 : index
    %get3A_389 = arith.constant 0 : index
    %get3A_390 = vector.load %arg18[%get3A_387, %get3A_388, %get3A_389] : memref<5x256x256xbf16, #tpu.memory_space<vmem>>, vector<1x256x256xbf16>
    %get3A_391 = vector.shape_cast %get3A_390 : vector<1x256x256xbf16> to vector<256x256xbf16>
    %mul3A_392 = vector.broadcast %concatenate3A_386 : vector<1x256xbf16> to vector<256x256xbf16>
    %mul3A_393 = arith.mulf %get3A_391, %mul3A_392 : vector<256x256xbf16>
    %get3A_394 = arith.constant 2 : index
    %get3A_395 = arith.constant 0 : index
    %get3A_396 = arith.constant 0 : index
    %get3A_397 = vector.load %arg19[%get3A_394, %get3A_395, %get3A_396] : memref<5x256x256xbf16, #tpu.memory_space<vmem>>, vector<1x256x256xbf16>
    %get3A_398 = vector.shape_cast %get3A_397 : vector<1x256x256xbf16> to vector<256x256xbf16>
    %dot_general3A_399 = arith.constant dense<0.000000e+00> : vector<256x256xf32>
    %dot_general3A_400 = tpu.matmul %mul3A_393, %get3A_398, %dot_general3A_399 {dimension_numbers = #tpu.dot_dimension_numbers<[1], [1], [0], [0], [0, 0, 1, 0], [], []>, transpose_lhs_hint = false} : vector<256x256xbf16>, vector<256x256xbf16>, vector<256x256xf32> -> vector<256x256xf32>
    %get3A_401 = arith.constant 2 : index
    %get3A_402 = arith.index_cast %add3A_379 : i32 to index
    %get3A_403 = arith.constant 0 : index
    %get3A_404 = vector.load %arg17[%get3A_401, %get3A_402, %get3A_403] : memref<5x256x256xf32, #tpu.memory_space<vmem>>, vector<1x1x256xf32>
    %get3A_405 = vector.shape_cast %get3A_404 : vector<1x1x256xf32> to vector<1x256xf32>
    %add3A_406 = vector.broadcast %get3A_405 : vector<1x256xf32> to vector<256x256xf32>
    %add3A_407 = arith.addf %dot_general3A_400, %add3A_406 : vector<256x256xf32>
    %max3A_408 = arith.constant 0.000000e+00 : f32
    %max3A_409 = vector.broadcast %max3A_408 : f32 to vector<256x256xf32>
    %max3A_410 = arith.maximumf %add3A_407, %max3A_409 : vector<256x256xf32>
    %swap3A_411 = arith.constant 512 : index
    %swap3A_412 = arith.constant 0 : index
    %swap3A_413 = vector.load %arg14[%swap3A_411, %swap3A_412] : memref<1024x256xf32, #tpu.memory_space<vmem>>, vector<256x256xf32>
    tpu.vector_store %arg14[%swap3A_411, %swap3A_412], %max3A_410 {strides = array<i32>} : memref<1024x256xf32, #tpu.memory_space<vmem>>, vector<256x256xf32>,
    %mul3A_414 = arith.constant 4 : i32
    %mul3A_415 = arith.muli %arg0, %mul3A_414 : i32
    %add3A_416 = arith.constant 3 : i32
    %add3A_417 = arith.addi %mul3A_415, %add3A_416 : i32
    %get3A_418 = arith.constant 2 : index
    %get3A_419 = arith.index_cast %add3A_417 : i32 to index
    %get3A_420 = arith.constant 0 : index
    %get3A_421 = vector.load %arg1[%get3A_418, %get3A_419, %get3A_420] : memref<5x256x128xf32, #tpu.memory_space<vmem>>, vector<1x1x128xf32>
    %get3A_422 = vector.shape_cast %get3A_421 : vector<1x1x128xf32> to vector<1x128xf32>
    %convert_element_type3A_423 = arith.truncf %get3A_422 : vector<1x128xf32> to vector<1x128xbf16>
    %concatenate3A_424 = tpu.concatenate %convert_element_type3A_423, %broadcast_in_dim3A_2 in 1 : vector<1x128xbf16>, vector<1x128xbf16> -> vector<1x256xbf16>
    %get3A_425 = arith.constant 2 : index
    %get3A_426 = arith.constant 0 : index
    %get3A_427 = arith.constant 0 : index
    %get3A_428 = vector.load %arg18[%get3A_425, %get3A_426, %get3A_427] : memref<5x256x256xbf16, #tpu.memory_space<vmem>>, vector<1x256x256xbf16>
    %get3A_429 = vector.shape_cast %get3A_428 : vector<1x256x256xbf16> to vector<256x256xbf16>
    %mul3A_430 = vector.broadcast %concatenate3A_424 : vector<1x256xbf16> to vector<256x256xbf16>
    %mul3A_431 = arith.mulf %get3A_429, %mul3A_430 : vector<256x256xbf16>
    %get3A_432 = arith.constant 2 : index
    %get3A_433 = arith.constant 0 : index
    %get3A_434 = arith.constant 0 : index
    %get3A_435 = vector.load %arg19[%get3A_432, %get3A_433, %get3A_434] : memref<5x256x256xbf16, #tpu.memory_space<vmem>>, vector<1x256x256xbf16>
    %get3A_436 = vector.shape_cast %get3A_435 : vector<1x256x256xbf16> to vector<256x256xbf16>
    %dot_general3A_437 = arith.constant dense<0.000000e+00> : vector<256x256xf32>
    %dot_general3A_438 = tpu.matmul %mul3A_431, %get3A_436, %dot_general3A_437 {dimension_numbers = #tpu.dot_dimension_numbers<[1], [1], [0], [0], [0, 0, 1, 0], [], []>, transpose_lhs_hint = false} : vector<256x256xbf16>, vector<256x256xbf16>, vector<256x256xf32> -> vector<256x256xf32>
    %get3A_439 = arith.constant 2 : index
    %get3A_440 = arith.index_cast %add3A_417 : i32 to index
    %get3A_441 = arith.constant 0 : index
    %get3A_442 = vector.load %arg17[%get3A_439, %get3A_440, %get3A_441] : memref<5x256x256xf32, #tpu.memory_space<vmem>>, vector<1x1x256xf32>
    %get3A_443 = vector.shape_cast %get3A_442 : vector<1x1x256xf32> to vector<1x256xf32>
    %add3A_444 = vector.broadcast %get3A_443 : vector<1x256xf32> to vector<256x256xf32>
    %add3A_445 = arith.addf %dot_general3A_438, %add3A_444 : vector<256x256xf32>
    %max3A_446 = arith.constant 0.000000e+00 : f32
    %max3A_447 = vector.broadcast %max3A_446 : f32 to vector<256x256xf32>
    %max3A_448 = arith.maximumf %add3A_445, %max3A_447 : vector<256x256xf32>
    %swap3A_449 = arith.constant 768 : index
    %swap3A_450 = arith.constant 0 : index
    %swap3A_451 = vector.load %arg14[%swap3A_449, %swap3A_450] : memref<1024x256xf32, #tpu.memory_space<vmem>>, vector<256x256xf32>
    tpu.vector_store %arg14[%swap3A_449, %swap3A_450], %max3A_448 {strides = array<i32>} : memref<1024x256xf32, #tpu.memory_space<vmem>>, vector<256x256xf32>,
    %mul3A_452 = arith.constant 4 : i32
    %mul3A_453 = arith.muli %arg0, %mul3A_452 : i32
    %add3A_454 = arith.constant 0 : i32
    %add3A_455 = arith.addi %mul3A_453, %add3A_454 : i32
    %get3A_456 = arith.constant 3 : index
    %get3A_457 = arith.index_cast %add3A_455 : i32 to index
    %get3A_458 = arith.constant 0 : index
    %get3A_459 = vector.load %arg1[%get3A_456, %get3A_457, %get3A_458] : memref<5x256x128xf32, #tpu.memory_space<vmem>>, vector<1x1x128xf32>
    %get3A_460 = vector.shape_cast %get3A_459 : vector<1x1x128xf32> to vector<1x128xf32>
    %convert_element_type3A_461 = arith.truncf %get3A_460 : vector<1x128xf32> to vector<1x128xbf16>
    %concatenate3A_462 = tpu.concatenate %convert_element_type3A_461, %broadcast_in_dim3A_2 in 1 : vector<1x128xbf16>, vector<1x128xbf16> -> vector<1x256xbf16>
    %get3A_463 = arith.constant 3 : index
    %get3A_464 = arith.constant 0 : index
    %get3A_465 = arith.constant 0 : index
    %get3A_466 = vector.load %arg18[%get3A_463, %get3A_464, %get3A_465] : memref<5x256x256xbf16, #tpu.memory_space<vmem>>, vector<1x256x256xbf16>
    %get3A_467 = vector.shape_cast %get3A_466 : vector<1x256x256xbf16> to vector<256x256xbf16>
    %mul3A_468 = vector.broadcast %concatenate3A_462 : vector<1x256xbf16> to vector<256x256xbf16>
    %mul3A_469 = arith.mulf %get3A_467, %mul3A_468 : vector<256x256xbf16>
    %get3A_470 = arith.constant 3 : index
    %get3A_471 = arith.constant 0 : index
    %get3A_472 = arith.constant 0 : index
    %get3A_473 = vector.load %arg19[%get3A_470, %get3A_471, %get3A_472] : memref<5x256x256xbf16, #tpu.memory_space<vmem>>, vector<1x256x256xbf16>
    %get3A_474 = vector.shape_cast %get3A_473 : vector<1x256x256xbf16> to vector<256x256xbf16>
    %dot_general3A_475 = arith.constant dense<0.000000e+00> : vector<256x256xf32>
    %dot_general3A_476 = tpu.matmul %mul3A_469, %get3A_474, %dot_general3A_475 {dimension_numbers = #tpu.dot_dimension_numbers<[1], [1], [0], [0], [0, 0, 1, 0], [], []>, transpose_lhs_hint = false} : vector<256x256xbf16>, vector<256x256xbf16>, vector<256x256xf32> -> vector<256x256xf32>
    %get3A_477 = arith.constant 3 : index
    %get3A_478 = arith.index_cast %add3A_455 : i32 to index
    %get3A_479 = arith.constant 0 : index
    %get3A_480 = vector.load %arg17[%get3A_477, %get3A_478, %get3A_479] : memref<5x256x256xf32, #tpu.memory_space<vmem>>, vector<1x1x256xf32>
    %get3A_481 = vector.shape_cast %get3A_480 : vector<1x1x256xf32> to vector<1x256xf32>
    %add3A_482 = vector.broadcast %get3A_481 : vector<1x256xf32> to vector<256x256xf32>
    %add3A_483 = arith.addf %dot_general3A_476, %add3A_482 : vector<256x256xf32>
    %max3A_484 = arith.constant 0.000000e+00 : f32
    %max3A_485 = vector.broadcast %max3A_484 : f32 to vector<256x256xf32>
    %max3A_486 = arith.maximumf %add3A_483, %max3A_485 : vector<256x256xf32>
    %swap3A_487 = arith.constant 0 : index
    %swap3A_488 = arith.constant 0 : index
    %swap3A_489 = vector.load %arg15[%swap3A_487, %swap3A_488] : memref<1024x256xf32, #tpu.memory_space<vmem>>, vector<256x256xf32>
    tpu.vector_store %arg15[%swap3A_487, %swap3A_488], %max3A_486 {strides = array<i32>} : memref<1024x256xf32, #tpu.memory_space<vmem>>, vector<256x256xf32>,
    %mul3A_490 = arith.constant 4 : i32
    %mul3A_491 = arith.muli %arg0, %mul3A_490 : i32
    %add3A_492 = arith.constant 1 : i32
    %add3A_493 = arith.addi %mul3A_491, %add3A_492 : i32
    %get3A_494 = arith.constant 3 : index
    %get3A_495 = arith.index_cast %add3A_493 : i32 to index
    %get3A_496 = arith.constant 0 : index
    %get3A_497 = vector.load %arg1[%get3A_494, %get3A_495, %get3A_496] : memref<5x256x128xf32, #tpu.memory_space<vmem>>, vector<1x1x128xf32>
    %get3A_498 = vector.shape_cast %get3A_497 : vector<1x1x128xf32> to vector<1x128xf32>
    %convert_element_type3A_499 = arith.truncf %get3A_498 : vector<1x128xf32> to vector<1x128xbf16>
    %concatenate3A_500 = tpu.concatenate %convert_element_type3A_499, %broadcast_in_dim3A_2 in 1 : vector<1x128xbf16>, vector<1x128xbf16> -> vector<1x256xbf16>
    %get3A_501 = arith.constant 3 : index
    %get3A_502 = arith.constant 0 : index
    %get3A_503 = arith.constant 0 : index
    %get3A_504 = vector.load %arg18[%get3A_501, %get3A_502, %get3A_503] : memref<5x256x256xbf16, #tpu.memory_space<vmem>>, vector<1x256x256xbf16>
    %get3A_505 = vector.shape_cast %get3A_504 : vector<1x256x256xbf16> to vector<256x256xbf16>
    %mul3A_506 = vector.broadcast %concatenate3A_500 : vector<1x256xbf16> to vector<256x256xbf16>
    %mul3A_507 = arith.mulf %get3A_505, %mul3A_506 : vector<256x256xbf16>
    %get3A_508 = arith.constant 3 : index
    %get3A_509 = arith.constant 0 : index
    %get3A_510 = arith.constant 0 : index
    %get3A_511 = vector.load %arg19[%get3A_508, %get3A_509, %get3A_510] : memref<5x256x256xbf16, #tpu.memory_space<vmem>>, vector<1x256x256xbf16>
    %get3A_512 = vector.shape_cast %get3A_511 : vector<1x256x256xbf16> to vector<256x256xbf16>
    %dot_general3A_513 = arith.constant dense<0.000000e+00> : vector<256x256xf32>
    %dot_general3A_514 = tpu.matmul %mul3A_507, %get3A_512, %dot_general3A_513 {dimension_numbers = #tpu.dot_dimension_numbers<[1], [1], [0], [0], [0, 0, 1, 0], [], []>, transpose_lhs_hint = false} : vector<256x256xbf16>, vector<256x256xbf16>, vector<256x256xf32> -> vector<256x256xf32>
    %get3A_515 = arith.constant 3 : index
    %get3A_516 = arith.index_cast %add3A_493 : i32 to index
    %get3A_517 = arith.constant 0 : index
    %get3A_518 = vector.load %arg17[%get3A_515, %get3A_516, %get3A_517] : memref<5x256x256xf32, #tpu.memory_space<vmem>>, vector<1x1x256xf32>
    %get3A_519 = vector.shape_cast %get3A_518 : vector<1x1x256xf32> to vector<1x256xf32>
    %add3A_520 = vector.broadcast %get3A_519 : vector<1x256xf32> to vector<256x256xf32>
    %add3A_521 = arith.addf %dot_general3A_514, %add3A_520 : vector<256x256xf32>
    %max3A_522 = arith.constant 0.000000e+00 : f32
    %max3A_523 = vector.broadcast %max3A_522 : f32 to vector<256x256xf32>
    %max3A_524 = arith.maximumf %add3A_521, %max3A_523 : vector<256x256xf32>
    %swap3A_525 = arith.constant 256 : index
    %swap3A_526 = arith.constant 0 : index
    %swap3A_527 = vector.load %arg15[%swap3A_525, %swap3A_526] : memref<1024x256xf32, #tpu.memory_space<vmem>>, vector<256x256xf32>
    tpu.vector_store %arg15[%swap3A_525, %swap3A_526], %max3A_524 {strides = array<i32>} : memref<1024x256xf32, #tpu.memory_space<vmem>>, vector<256x256xf32>,
    %mul3A_528 = arith.constant 4 : i32
    %mul3A_529 = arith.muli %arg0, %mul3A_528 : i32
    %add3A_530 = arith.constant 2 : i32
    %add3A_531 = arith.addi %mul3A_529, %add3A_530 : i32
    %get3A_532 = arith.constant 3 : index
    %get3A_533 = arith.index_cast %add3A_531 : i32 to index
    %get3A_534 = arith.constant 0 : index
    %get3A_535 = vector.load %arg1[%get3A_532, %get3A_533, %get3A_534] : memref<5x256x128xf32, #tpu.memory_space<vmem>>, vector<1x1x128xf32>
    %get3A_536 = vector.shape_cast %get3A_535 : vector<1x1x128xf32> to vector<1x128xf32>
    %convert_element_type3A_537 = arith.truncf %get3A_536 : vector<1x128xf32> to vector<1x128xbf16>
    %concatenate3A_538 = tpu.concatenate %convert_element_type3A_537, %broadcast_in_dim3A_2 in 1 : vector<1x128xbf16>, vector<1x128xbf16> -> vector<1x256xbf16>
    %get3A_539 = arith.constant 3 : index
    %get3A_540 = arith.constant 0 : index
    %get3A_541 = arith.constant 0 : index
    %get3A_542 = vector.load %arg18[%get3A_539, %get3A_540, %get3A_541] : memref<5x256x256xbf16, #tpu.memory_space<vmem>>, vector<1x256x256xbf16>
    %get3A_543 = vector.shape_cast %get3A_542 : vector<1x256x256xbf16> to vector<256x256xbf16>
    %mul3A_544 = vector.broadcast %concatenate3A_538 : vector<1x256xbf16> to vector<256x256xbf16>
    %mul3A_545 = arith.mulf %get3A_543, %mul3A_544 : vector<256x256xbf16>
    %get3A_546 = arith.constant 3 : index
    %get3A_547 = arith.constant 0 : index
    %get3A_548 = arith.constant 0 : index
    %get3A_549 = vector.load %arg19[%get3A_546, %get3A_547, %get3A_548] : memref<5x256x256xbf16, #tpu.memory_space<vmem>>, vector<1x256x256xbf16>
    %get3A_550 = vector.shape_cast %get3A_549 : vector<1x256x256xbf16> to vector<256x256xbf16>
    %dot_general3A_551 = arith.constant dense<0.000000e+00> : vector<256x256xf32>
    %dot_general3A_552 = tpu.matmul %mul3A_545, %get3A_550, %dot_general3A_551 {dimension_numbers = #tpu.dot_dimension_numbers<[1], [1], [0], [0], [0, 0, 1, 0], [], []>, transpose_lhs_hint = false} : vector<256x256xbf16>, vector<256x256xbf16>, vector<256x256xf32> -> vector<256x256xf32>
    %get3A_553 = arith.constant 3 : index
    %get3A_554 = arith.index_cast %add3A_531 : i32 to index
    %get3A_555 = arith.constant 0 : index
    %get3A_556 = vector.load %arg17[%get3A_553, %get3A_554, %get3A_555] : memref<5x256x256xf32, #tpu.memory_space<vmem>>, vector<1x1x256xf32>
    %get3A_557 = vector.shape_cast %get3A_556 : vector<1x1x256xf32> to vector<1x256xf32>
    %add3A_558 = vector.broadcast %get3A_557 : vector<1x256xf32> to vector<256x256xf32>
    %add3A_559 = arith.addf %dot_general3A_552, %add3A_558 : vector<256x256xf32>
    %max3A_560 = arith.constant 0.000000e+00 : f32
    %max3A_561 = vector.broadcast %max3A_560 : f32 to vector<256x256xf32>
    %max3A_562 = arith.maximumf %add3A_559, %max3A_561 : vector<256x256xf32>
    %swap3A_563 = arith.constant 512 : index
    %swap3A_564 = arith.constant 0 : index
    %swap3A_565 = vector.load %arg15[%swap3A_563, %swap3A_564] : memref<1024x256xf32, #tpu.memory_space<vmem>>, vector<256x256xf32>
    tpu.vector_store %arg15[%swap3A_563, %swap3A_564], %max3A_562 {strides = array<i32>} : memref<1024x256xf32, #tpu.memory_space<vmem>>, vector<256x256xf32>,
    %mul3A_566 = arith.constant 4 : i32
    %mul3A_567 = arith.muli %arg0, %mul3A_566 : i32
    %add3A_568 = arith.constant 3 : i32
    %add3A_569 = arith.addi %mul3A_567, %add3A_568 : i32
    %get3A_570 = arith.constant 3 : index
    %get3A_571 = arith.index_cast %add3A_569 : i32 to index
    %get3A_572 = arith.constant 0 : index
    %get3A_573 = vector.load %arg1[%get3A_570, %get3A_571, %get3A_572] : memref<5x256x128xf32, #tpu.memory_space<vmem>>, vector<1x1x128xf32>
    %get3A_574 = vector.shape_cast %get3A_573 : vector<1x1x128xf32> to vector<1x128xf32>
    %convert_element_type3A_575 = arith.truncf %get3A_574 : vector<1x128xf32> to vector<1x128xbf16>
    %concatenate3A_576 = tpu.concatenate %convert_element_type3A_575, %broadcast_in_dim3A_2 in 1 : vector<1x128xbf16>, vector<1x128xbf16> -> vector<1x256xbf16>
    %get3A_577 = arith.constant 3 : index
    %get3A_578 = arith.constant 0 : index
    %get3A_579 = arith.constant 0 : index
    %get3A_580 = vector.load %arg18[%get3A_577, %get3A_578, %get3A_579] : memref<5x256x256xbf16, #tpu.memory_space<vmem>>, vector<1x256x256xbf16>
    %get3A_581 = vector.shape_cast %get3A_580 : vector<1x256x256xbf16> to vector<256x256xbf16>
    %mul3A_582 = vector.broadcast %concatenate3A_576 : vector<1x256xbf16> to vector<256x256xbf16>
    %mul3A_583 = arith.mulf %get3A_581, %mul3A_582 : vector<256x256xbf16>
    %get3A_584 = arith.constant 3 : index
    %get3A_585 = arith.constant 0 : index
    %get3A_586 = arith.constant 0 : index
    %get3A_587 = vector.load %arg19[%get3A_584, %get3A_585, %get3A_586] : memref<5x256x256xbf16, #tpu.memory_space<vmem>>, vector<1x256x256xbf16>
    %get3A_588 = vector.shape_cast %get3A_587 : vector<1x256x256xbf16> to vector<256x256xbf16>
    %dot_general3A_589 = arith.constant dense<0.000000e+00> : vector<256x256xf32>
    %dot_general3A_590 = tpu.matmul %mul3A_583, %get3A_588, %dot_general3A_589 {dimension_numbers = #tpu.dot_dimension_numbers<[1], [1], [0], [0], [0, 0, 1, 0], [], []>, transpose_lhs_hint = false} : vector<256x256xbf16>, vector<256x256xbf16>, vector<256x256xf32> -> vector<256x256xf32>
    %get3A_591 = arith.constant 3 : index
    %get3A_592 = arith.index_cast %add3A_569 : i32 to index
    %get3A_593 = arith.constant 0 : index
    %get3A_594 = vector.load %arg17[%get3A_591, %get3A_592, %get3A_593] : memref<5x256x256xf32, #tpu.memory_space<vmem>>, vector<1x1x256xf32>
    %get3A_595 = vector.shape_cast %get3A_594 : vector<1x1x256xf32> to vector<1x256xf32>
    %add3A_596 = vector.broadcast %get3A_595 : vector<1x256xf32> to vector<256x256xf32>
    %add3A_597 = arith.addf %dot_general3A_590, %add3A_596 : vector<256x256xf32>
    %max3A_598 = arith.constant 0.000000e+00 : f32
    %max3A_599 = vector.broadcast %max3A_598 : f32 to vector<256x256xf32>
    %max3A_600 = arith.maximumf %add3A_597, %max3A_599 : vector<256x256xf32>
    %swap3A_601 = arith.constant 768 : index
    %swap3A_602 = arith.constant 0 : index
    %swap3A_603 = vector.load %arg15[%swap3A_601, %swap3A_602] : memref<1024x256xf32, #tpu.memory_space<vmem>>, vector<256x256xf32>
    tpu.vector_store %arg15[%swap3A_601, %swap3A_602], %max3A_600 {strides = array<i32>} : memref<1024x256xf32, #tpu.memory_space<vmem>>, vector<256x256xf32>,
    %mul3A_604 = arith.constant 4 : i32
    %mul3A_605 = arith.muli %arg0, %mul3A_604 : i32
    %add3A_606 = arith.constant 0 : i32
    %add3A_607 = arith.addi %mul3A_605, %add3A_606 : i32
    %get3A_608 = arith.constant 4 : index
    %get3A_609 = arith.index_cast %add3A_607 : i32 to index
    %get3A_610 = arith.constant 0 : index
    %get3A_611 = vector.load %arg1[%get3A_608, %get3A_609, %get3A_610] : memref<5x256x128xf32, #tpu.memory_space<vmem>>, vector<1x1x128xf32>
    %get3A_612 = vector.shape_cast %get3A_611 : vector<1x1x128xf32> to vector<1x128xf32>
    %convert_element_type3A_613 = arith.truncf %get3A_612 : vector<1x128xf32> to vector<1x128xbf16>
    %concatenate3A_614 = tpu.concatenate %convert_element_type3A_613, %broadcast_in_dim3A_2 in 1 : vector<1x128xbf16>, vector<1x128xbf16> -> vector<1x256xbf16>
    %get3A_615 = arith.constant 4 : index
    %get3A_616 = arith.constant 0 : index
    %get3A_617 = arith.constant 0 : index
    %get3A_618 = vector.load %arg18[%get3A_615, %get3A_616, %get3A_617] : memref<5x256x256xbf16, #tpu.memory_space<vmem>>, vector<1x256x256xbf16>
    %get3A_619 = vector.shape_cast %get3A_618 : vector<1x256x256xbf16> to vector<256x256xbf16>
    %mul3A_620 = vector.broadcast %concatenate3A_614 : vector<1x256xbf16> to vector<256x256xbf16>
    %mul3A_621 = arith.mulf %get3A_619, %mul3A_620 : vector<256x256xbf16>
    %get3A_622 = arith.constant 4 : index
    %get3A_623 = arith.constant 0 : index
    %get3A_624 = arith.constant 0 : index
    %get3A_625 = vector.load %arg19[%get3A_622, %get3A_623, %get3A_624] : memref<5x256x256xbf16, #tpu.memory_space<vmem>>, vector<1x256x256xbf16>
    %get3A_626 = vector.shape_cast %get3A_625 : vector<1x256x256xbf16> to vector<256x256xbf16>
    %dot_general3A_627 = arith.constant dense<0.000000e+00> : vector<256x256xf32>
    %dot_general3A_628 = tpu.matmul %mul3A_621, %get3A_626, %dot_general3A_627 {dimension_numbers = #tpu.dot_dimension_numbers<[1], [1], [0], [0], [0, 0, 1, 0], [], []>, transpose_lhs_hint = false} : vector<256x256xbf16>, vector<256x256xbf16>, vector<256x256xf32> -> vector<256x256xf32>
    %get3A_629 = arith.constant 4 : index
    %get3A_630 = arith.index_cast %add3A_607 : i32 to index
    %get3A_631 = arith.constant 0 : index
    %get3A_632 = vector.load %arg17[%get3A_629, %get3A_630, %get3A_631] : memref<5x256x256xf32, #tpu.memory_space<vmem>>, vector<1x1x256xf32>
    %get3A_633 = vector.shape_cast %get3A_632 : vector<1x1x256xf32> to vector<1x256xf32>
    %add3A_634 = vector.broadcast %get3A_633 : vector<1x256xf32> to vector<256x256xf32>
    %add3A_635 = arith.addf %dot_general3A_628, %add3A_634 : vector<256x256xf32>
    %max3A_636 = arith.constant 0.000000e+00 : f32
    %max3A_637 = vector.broadcast %max3A_636 : f32 to vector<256x256xf32>
    %max3A_638 = arith.maximumf %add3A_635, %max3A_637 : vector<256x256xf32>
    %swap3A_639 = arith.constant 0 : index
    %swap3A_640 = arith.constant 0 : index
    %swap3A_641 = vector.load %arg16[%swap3A_639, %swap3A_640] : memref<1024x256xf32, #tpu.memory_space<vmem>>, vector<256x256xf32>
    tpu.vector_store %arg16[%swap3A_639, %swap3A_640], %max3A_638 {strides = array<i32>} : memref<1024x256xf32, #tpu.memory_space<vmem>>, vector<256x256xf32>,
    %mul3A_642 = arith.constant 4 : i32
    %mul3A_643 = arith.muli %arg0, %mul3A_642 : i32
    %add3A_644 = arith.constant 1 : i32
    %add3A_645 = arith.addi %mul3A_643, %add3A_644 : i32
    %get3A_646 = arith.constant 4 : index
    %get3A_647 = arith.index_cast %add3A_645 : i32 to index
    %get3A_648 = arith.constant 0 : index
    %get3A_649 = vector.load %arg1[%get3A_646, %get3A_647, %get3A_648] : memref<5x256x128xf32, #tpu.memory_space<vmem>>, vector<1x1x128xf32>
    %get3A_650 = vector.shape_cast %get3A_649 : vector<1x1x128xf32> to vector<1x128xf32>
    %convert_element_type3A_651 = arith.truncf %get3A_650 : vector<1x128xf32> to vector<1x128xbf16>
    %concatenate3A_652 = tpu.concatenate %convert_element_type3A_651, %broadcast_in_dim3A_2 in 1 : vector<1x128xbf16>, vector<1x128xbf16> -> vector<1x256xbf16>
    %get3A_653 = arith.constant 4 : index
    %get3A_654 = arith.constant 0 : index
    %get3A_655 = arith.constant 0 : index
    %get3A_656 = vector.load %arg18[%get3A_653, %get3A_654, %get3A_655] : memref<5x256x256xbf16, #tpu.memory_space<vmem>>, vector<1x256x256xbf16>
    %get3A_657 = vector.shape_cast %get3A_656 : vector<1x256x256xbf16> to vector<256x256xbf16>
    %mul3A_658 = vector.broadcast %concatenate3A_652 : vector<1x256xbf16> to vector<256x256xbf16>
    %mul3A_659 = arith.mulf %get3A_657, %mul3A_658 : vector<256x256xbf16>
    %get3A_660 = arith.constant 4 : index
    %get3A_661 = arith.constant 0 : index
    %get3A_662 = arith.constant 0 : index
    %get3A_663 = vector.load %arg19[%get3A_660, %get3A_661, %get3A_662] : memref<5x256x256xbf16, #tpu.memory_space<vmem>>, vector<1x256x256xbf16>
    %get3A_664 = vector.shape_cast %get3A_663 : vector<1x256x256xbf16> to vector<256x256xbf16>
    %dot_general3A_665 = arith.constant dense<0.000000e+00> : vector<256x256xf32>
    %dot_general3A_666 = tpu.matmul %mul3A_659, %get3A_664, %dot_general3A_665 {dimension_numbers = #tpu.dot_dimension_numbers<[1], [1], [0], [0], [0, 0, 1, 0], [], []>, transpose_lhs_hint = false} : vector<256x256xbf16>, vector<256x256xbf16>, vector<256x256xf32> -> vector<256x256xf32>
    %get3A_667 = arith.constant 4 : index
    %get3A_668 = arith.index_cast %add3A_645 : i32 to index
    %get3A_669 = arith.constant 0 : index
    %get3A_670 = vector.load %arg17[%get3A_667, %get3A_668, %get3A_669] : memref<5x256x256xf32, #tpu.memory_space<vmem>>, vector<1x1x256xf32>
    %get3A_671 = vector.shape_cast %get3A_670 : vector<1x1x256xf32> to vector<1x256xf32>
    %add3A_672 = vector.broadcast %get3A_671 : vector<1x256xf32> to vector<256x256xf32>
    %add3A_673 = arith.addf %dot_general3A_666, %add3A_672 : vector<256x256xf32>
    %max3A_674 = arith.constant 0.000000e+00 : f32
    %max3A_675 = vector.broadcast %max3A_674 : f32 to vector<256x256xf32>
    %max3A_676 = arith.maximumf %add3A_673, %max3A_675 : vector<256x256xf32>
    %swap3A_677 = arith.constant 256 : index
    %swap3A_678 = arith.constant 0 : index
    %swap3A_679 = vector.load %arg16[%swap3A_677, %swap3A_678] : memref<1024x256xf32, #tpu.memory_space<vmem>>, vector<256x256xf32>
    tpu.vector_store %arg16[%swap3A_677, %swap3A_678], %max3A_676 {strides = array<i32>} : memref<1024x256xf32, #tpu.memory_space<vmem>>, vector<256x256xf32>,
    %mul3A_680 = arith.constant 4 : i32
    %mul3A_681 = arith.muli %arg0, %mul3A_680 : i32
    %add3A_682 = arith.constant 2 : i32
    %add3A_683 = arith.addi %mul3A_681, %add3A_682 : i32
    %get3A_684 = arith.constant 4 : index
    %get3A_685 = arith.index_cast %add3A_683 : i32 to index
    %get3A_686 = arith.constant 0 : index
    %get3A_687 = vector.load %arg1[%get3A_684, %get3A_685, %get3A_686] : memref<5x256x128xf32, #tpu.memory_space<vmem>>, vector<1x1x128xf32>
    %get3A_688 = vector.shape_cast %get3A_687 : vector<1x1x128xf32> to vector<1x128xf32>
    %convert_element_type3A_689 = arith.truncf %get3A_688 : vector<1x128xf32> to vector<1x128xbf16>
    %concatenate3A_690 = tpu.concatenate %convert_element_type3A_689, %broadcast_in_dim3A_2 in 1 : vector<1x128xbf16>, vector<1x128xbf16> -> vector<1x256xbf16>
    %get3A_691 = arith.constant 4 : index
    %get3A_692 = arith.constant 0 : index
    %get3A_693 = arith.constant 0 : index
    %get3A_694 = vector.load %arg18[%get3A_691, %get3A_692, %get3A_693] : memref<5x256x256xbf16, #tpu.memory_space<vmem>>, vector<1x256x256xbf16>
    %get3A_695 = vector.shape_cast %get3A_694 : vector<1x256x256xbf16> to vector<256x256xbf16>
    %mul3A_696 = vector.broadcast %concatenate3A_690 : vector<1x256xbf16> to vector<256x256xbf16>
    %mul3A_697 = arith.mulf %get3A_695, %mul3A_696 : vector<256x256xbf16>
    %get3A_698 = arith.constant 4 : index
    %get3A_699 = arith.constant 0 : index
    %get3A_700 = arith.constant 0 : index
    %get3A_701 = vector.load %arg19[%get3A_698, %get3A_699, %get3A_700] : memref<5x256x256xbf16, #tpu.memory_space<vmem>>, vector<1x256x256xbf16>
    %get3A_702 = vector.shape_cast %get3A_701 : vector<1x256x256xbf16> to vector<256x256xbf16>
    %dot_general3A_703 = arith.constant dense<0.000000e+00> : vector<256x256xf32>
    %dot_general3A_704 = tpu.matmul %mul3A_697, %get3A_702, %dot_general3A_703 {dimension_numbers = #tpu.dot_dimension_numbers<[1], [1], [0], [0], [0, 0, 1, 0], [], []>, transpose_lhs_hint = false} : vector<256x256xbf16>, vector<256x256xbf16>, vector<256x256xf32> -> vector<256x256xf32>
    %get3A_705 = arith.constant 4 : index
    %get3A_706 = arith.index_cast %add3A_683 : i32 to index
    %get3A_707 = arith.constant 0 : index
    %get3A_708 = vector.load %arg17[%get3A_705, %get3A_706, %get3A_707] : memref<5x256x256xf32, #tpu.memory_space<vmem>>, vector<1x1x256xf32>
    %get3A_709 = vector.shape_cast %get3A_708 : vector<1x1x256xf32> to vector<1x256xf32>
    %add3A_710 = vector.broadcast %get3A_709 : vector<1x256xf32> to vector<256x256xf32>
    %add3A_711 = arith.addf %dot_general3A_704, %add3A_710 : vector<256x256xf32>
    %max3A_712 = arith.constant 0.000000e+00 : f32
    %max3A_713 = vector.broadcast %max3A_712 : f32 to vector<256x256xf32>
    %max3A_714 = arith.maximumf %add3A_711, %max3A_713 : vector<256x256xf32>
    %swap3A_715 = arith.constant 512 : index
    %swap3A_716 = arith.constant 0 : index
    %swap3A_717 = vector.load %arg16[%swap3A_715, %swap3A_716] : memref<1024x256xf32, #tpu.memory_space<vmem>>, vector<256x256xf32>
    tpu.vector_store %arg16[%swap3A_715, %swap3A_716], %max3A_714 {strides = array<i32>} : memref<1024x256xf32, #tpu.memory_space<vmem>>, vector<256x256xf32>,
    %mul3A_718 = arith.constant 4 : i32
    %mul3A_719 = arith.muli %arg0, %mul3A_718 : i32
    %add3A_720 = arith.constant 3 : i32
    %add3A_721 = arith.addi %mul3A_719, %add3A_720 : i32
    %get3A_722 = arith.constant 4 : index
    %get3A_723 = arith.index_cast %add3A_721 : i32 to index
    %get3A_724 = arith.constant 0 : index
    %get3A_725 = vector.load %arg1[%get3A_722, %get3A_723, %get3A_724] : memref<5x256x128xf32, #tpu.memory_space<vmem>>, vector<1x1x128xf32>
    %get3A_726 = vector.shape_cast %get3A_725 : vector<1x1x128xf32> to vector<1x128xf32>
    %convert_element_type3A_727 = arith.truncf %get3A_726 : vector<1x128xf32> to vector<1x128xbf16>
    %concatenate3A_728 = tpu.concatenate %convert_element_type3A_727, %broadcast_in_dim3A_2 in 1 : vector<1x128xbf16>, vector<1x128xbf16> -> vector<1x256xbf16>
    %get3A_729 = arith.constant 4 : index
    %get3A_730 = arith.constant 0 : index
    %get3A_731 = arith.constant 0 : index
    %get3A_732 = vector.load %arg18[%get3A_729, %get3A_730, %get3A_731] : memref<5x256x256xbf16, #tpu.memory_space<vmem>>, vector<1x256x256xbf16>
    %get3A_733 = vector.shape_cast %get3A_732 : vector<1x256x256xbf16> to vector<256x256xbf16>
    %mul3A_734 = vector.broadcast %concatenate3A_728 : vector<1x256xbf16> to vector<256x256xbf16>
    %mul3A_735 = arith.mulf %get3A_733, %mul3A_734 : vector<256x256xbf16>
    %get3A_736 = arith.constant 4 : index
    %get3A_737 = arith.constant 0 : index
    %get3A_738 = arith.constant 0 : index
    %get3A_739 = vector.load %arg19[%get3A_736, %get3A_737, %get3A_738] : memref<5x256x256xbf16, #tpu.memory_space<vmem>>, vector<1x256x256xbf16>
    %get3A_740 = vector.shape_cast %get3A_739 : vector<1x256x256xbf16> to vector<256x256xbf16>
    %dot_general3A_741 = arith.constant dense<0.000000e+00> : vector<256x256xf32>
    %dot_general3A_742 = tpu.matmul %mul3A_735, %get3A_740, %dot_general3A_741 {dimension_numbers = #tpu.dot_dimension_numbers<[1], [1], [0], [0], [0, 0, 1, 0], [], []>, transpose_lhs_hint = false} : vector<256x256xbf16>, vector<256x256xbf16>, vector<256x256xf32> -> vector<256x256xf32>
    %get3A_743 = arith.constant 4 : index
    %get3A_744 = arith.index_cast %add3A_721 : i32 to index
    %get3A_745 = arith.constant 0 : index
    %get3A_746 = vector.load %arg17[%get3A_743, %get3A_744, %get3A_745] : memref<5x256x256xf32, #tpu.memory_space<vmem>>, vector<1x1x256xf32>
    %get3A_747 = vector.shape_cast %get3A_746 : vector<1x1x256xf32> to vector<1x256xf32>
    %add3A_748 = vector.broadcast %get3A_747 : vector<1x256xf32> to vector<256x256xf32>
    %add3A_749 = arith.addf %dot_general3A_742, %add3A_748 : vector<256x256xf32>
    %max3A_750 = arith.constant 0.000000e+00 : f32
    %max3A_751 = vector.broadcast %max3A_750 : f32 to vector<256x256xf32>
    %max3A_752 = arith.maximumf %add3A_749, %max3A_751 : vector<256x256xf32>
    %swap3A_753 = arith.constant 768 : index
    %swap3A_754 = arith.constant 0 : index
    %swap3A_755 = vector.load %arg16[%swap3A_753, %swap3A_754] : memref<1024x256xf32, #tpu.memory_space<vmem>>, vector<256x256xf32>
    tpu.vector_store %arg16[%swap3A_753, %swap3A_754], %max3A_752 {strides = array<i32>} : memref<1024x256xf32, #tpu.memory_space<vmem>>, vector<256x256xf32>,
    return
  }
  func.func @transform_0(%arg0: i32) -> (i32, i32, i32) {
    %c0_i32 = arith.constant 0 : i32
    %c0_i32_0 = arith.constant 0 : i32
    %c0_i32_1 = arith.constant 0 : i32
    %c0_i32_2 = arith.constant 0 : i32
    return %c0_i32, %c0_i32_0, %c0_i32_1 : i32, i32, i32
  }
  func.func @transform_1(%arg0: i32) -> (i32, i32) {
    %c0_i32 = arith.constant 0 : i32
    %c0_i32_0 = arith.constant 0 : i32
    %c0_i32_1 = arith.constant 0 : i32
    return %c0_i32, %c0_i32_0 : i32, i32
  }
  func.func @transform_2(%arg0: i32) -> (i32, i32) {
    %c0_i32 = arith.constant 0 : i32
    %c0_i32_0 = arith.constant 0 : i32
    %c0_i32_1 = arith.constant 0 : i32
    return %c0_i32, %c0_i32_0 : i32, i32
  }
  func.func @transform_3(%arg0: i32) -> (i32, i32) {
    %c0_i32 = arith.constant 0 : i32
    %c0_i32_0 = arith.constant 0 : i32
    %c0_i32_1 = arith.constant 0 : i32
    return %c0_i32, %c0_i32_0 : i32, i32
  }
  func.func @transform_4(%arg0: i32) -> (i32, i32) {
    %c0_i32 = arith.constant 0 : i32
    %c0_i32_0 = arith.constant 0 : i32
    %c0_i32_1 = arith.constant 0 : i32
    return %c0_i32, %c0_i32_0 : i32, i32
  }
  func.func @transform_5(%arg0: i32) -> (i32, i32) {
    %c0_i32 = arith.constant 0 : i32
    %c0_i32_0 = arith.constant 0 : i32
    %c0_i32_1 = arith.constant 0 : i32
    return %c0_i32, %c0_i32_0 : i32, i32
  }
  func.func @transform_6(%arg0: i32) -> (i32, i32) {
    %c0_i32 = arith.constant 0 : i32
    %c0_i32_0 = arith.constant 0 : i32
    %c0_i32_1 = arith.constant 0 : i32
    return %c0_i32, %c0_i32_0 : i32, i32
  }
  func.func @transform_7(%arg0: i32) -> (i32, i32) {
    %c0_i32 = arith.constant 0 : i32
    %c0_i32_0 = arith.constant 0 : i32
    %c0_i32_1 = arith.constant 0 : i32
    return %c0_i32, %c0_i32_0 : i32, i32
  }
  func.func @transform_8(%arg0: i32) -> (i32, i32) {
    %c0_i32 = arith.constant 0 : i32
    %c0_i32_0 = arith.constant 0 : i32
    %c0_i32_1 = arith.constant 0 : i32
    return %c0_i32, %c0_i32_0 : i32, i32
  }
  func.func @transform_9(%arg0: i32) -> (i32, i32) {
    %c0_i32 = arith.constant 0 : i32
    %c0_i32_0 = arith.constant 0 : i32
    %c0_i32_1 = arith.constant 0 : i32
    return %c0_i32, %c0_i32_0 : i32, i32
  }
  func.func @transform_10(%arg0: i32) -> (i32, i32) {
    %c0_i32 = arith.constant 0 : i32
    %c0_i32_0 = arith.constant 0 : i32
    %c0_i32_1 = arith.constant 0 : i32
    return %c0_i32, %c0_i32_0 : i32, i32
  }
  func.func @transform_11(%arg0: i32) -> (i32, i32) {
    %c0_i32 = arith.constant 0 : i32
    %c0_i32_0 = arith.constant 0 : i32
    return %arg0, %c0_i32 : i32, i32
  }
  func.func @transform_12(%arg0: i32) -> (i32, i32) {
    %c0_i32 = arith.constant 0 : i32
    %c0_i32_0 = arith.constant 0 : i32
    return %arg0, %c0_i32 : i32, i32
  }
  func.func @transform_13(%arg0: i32) -> (i32, i32) {
    %c0_i32 = arith.constant 0 : i32
    %c0_i32_0 = arith.constant 0 : i32
    return %arg0, %c0_i32 : i32, i32
  }
  func.func @transform_14(%arg0: i32) -> (i32, i32) {
    %c0_i32 = arith.constant 0 : i32
    %c0_i32_0 = arith.constant 0 : i32
    return %arg0, %c0_i32 : i32, i32
  }
  func.func @transform_15(%arg0: i32) -> (i32, i32) {
    %c0_i32 = arith.constant 0 : i32
    %c0_i32_0 = arith.constant 0 : i32
    return %arg0, %c0_i32 : i32, i32
  }
}

</mosaic_0001>

<sc_bundles>
// kernel: kernel.4.cloned.1.call-start
scs
__scs_entry_jumppad:
0x0: {  	(pc) =	sbr.rel $0x88, $3  }
0x1: {  	(tag) =	ssettag $0x0;
	lr =	simm.s32 $0x1  }
0x2: {  	[smem:$0x3F8D] =	sst lr;
	_ =	strace $0xD0000000  }
0x3: {  	_ = 	snop  }
0x4: {  	_ = 	snop  }
0x5: {  	_ = 	snop  }
0x6: {  	_ = 	snop  }
0x7: {  	_ = 	snop  }
__scs_overlays_trampoline_lowered:
0x8: {  	[smem:$0x3F9C] =	sst s0  }
0x9: {  	[smem:$0x3F9D] =	sst s1  }
0xa: {  	[smem:$0x3F9E] =	sst s2  }
0xb: {  	[smem:$0x3F9F] =	sst s3  }
0xc: {  	[smem:$0x3FA0] =	sst s4  }
0xd: {  	[smem:$0x3FA1] =	sst s5  }
0xe: {  	[smem:$0x3FA2] =	sst s6  }
0xf: {  	[smem:$0x3FA3] =	sst s7  }
0x10: {  	[smem:$0x3FA4] =	sst s8  }
0x11: {  	[smem:$0x3FA5] =	sst s9;
	s0 =	simm.s32 @!p0 $0x0  }
0x12: {  	s1 =	sld [smem:$0x3F8B];
	s0 =	simm.s32 @p0 $0x1  }
0x13: {  	[smem:$0x3FA6] =	sst s0;
	s0 =	simm.s32 @!p1 $0x0  }
0x14: {  	s2 =	sld [smem:$0x3F8A];
	s0 =	simm.s32 @p1 $0x1  }
0x15: {  	[smem:$0x3FA7] =	sst s0;
	s0 =	simm.s32 @!p2 $0x0  }
0x16: {  	s3 =	sld [smem:$0x3FDB];
	s0 =	simm.s32 @p2 $0x1  }
0x17: {  	s4 =	simm.s32 $0x1BF5;
	[smem:$0x3FA9] =	sst s0  }
0x18: {  	s0 =	sld [smem:$0x3F8C];
	_ =	swait.ge [sflag:s4], $0x0  }
0x19: {  	s7 =	sld [smem:$0x3F8D]  }
0x1a: {  	s8 =	sadd.s32 $0xFFFFE003, lr  }
0x1b: {  	s9 =	sadd.s32 $0xFFFFFEF7, lr;
	s5 =	simm.s32 $0xFFFFFFFF;
	p2 =	slt.u32 s8, $0xFFFFF086  }
0x1c: {  	p1 =	slt.u32 s9, $0xF7A;
	s5 =	simm.s32 @!p2 $0x0  }
0x1d: {  	s5 =	simm.s32 @p1 $0x1;
	p0 =	seq.s32 s7, s2  }
0x1e: {  	s7 =	smul.u32 @!p0 $0xF7A, s2;
	p2 =	seq.s32 @!p0 s5, $0x0  }
0x1f: {  	s9 =	smul.u32 $0xF7A, s1;
	s8 =	simm.s32 @!p0 $0x1BF5;
	p2 =	por !p2, p0  }
0x20: {  	[sflag:s8] =	ssyncset.s32 @!p0 $0xFFFFF086;
	s6 =	sadd.s32 @!p0 s3, s7;
	s7 =	simm.s32 @!p0 $0x108  }
0x21: {  	s3 =	sadd.s32 s3, s9;
	s6 =	sadd.s32 @!p0 $0x88, s6;
	s7 =	simm.s32 @p2 $0x1082  }
0x22: {  	[simem:s7], [sflag:s8] =	dma.local @!p0 [hbm:s6], $0xF7A  }
0x23: {  	s9 =	sor.u32 $0xD0000000, s2;
	s6 =	simm.s32 $0x108;
	_ =	swait.ge @!p0 [sflag:s8], $0x0  }
0x24: {  	s3 =	sadd.s32 $0x88, s3;
	s6 =	simm.s32 @!p1 $0x1082;
	[sflag:s4] =	ssyncset.s32 $0xFFFFF086  }
0x25: {  	[simem:s6], [sflag:s4] =	dma.local [hbm:s3], $0xF7A  }
0x26: {  	[smem:$0x3F8D] =	sst s1;
	(tag) =	ssettag s2;
	_ =	strace s9  }
0x27: {  	s1 =	sld [smem:$0x3F9D]  }
0x28: {  	s2 =	sld [smem:$0x3F9E]  }
0x29: {  	s4 =	sld [smem:$0x3FA0]  }
0x2a: {  	p0 =	seq.s32 s5, $0x0;
	s5 =	sld [smem:$0x3FA1]  }
0x2b: {  	s6 =	sld [smem:$0x3FA2]  }
0x2c: {  	s7 =	sld [smem:$0x3FA3]  }
0x2d: {  	s3 =	simm.s32 $0x108;
	s8 =	sld [smem:$0x3FA4]  }
0x2e: {  	s3 =	simm.s32 @!p0 $0x1082;
	s9 =	sld [smem:$0x3FA5]  }
0x2f: {  	lr =	sadd.s32 s0, s3;
	s0 =	sld [smem:$0x3F9C]  }
0x30: {  	s3 =	sld [smem:$0x3F9F]  }
0x31: {  	[smem:$0x3FA8] =	sst s10  }
0x32: {  	s10 =	sld [smem:$0x3FA6];
	_ =	sdelay $0x3  }
0x33: {  	p0 =	seq.s32 s10, $0x1;
	s10 =	sld [smem:$0x3FA8];
	_ =	sdelay $0x3  }
0x34: {  	[smem:$0x3FA8] =	sst s10  }
0x35: {  	s10 =	sld [smem:$0x3FA7];
	_ =	sdelay $0x3  }
0x36: {  	p1 =	seq.s32 s10, $0x1;
	s10 =	sld [smem:$0x3FA8];
	_ =	sdelay $0x3  }
0x37: {  	[smem:$0x3FA8] =	sst s10  }
0x38: {  	s10 =	sld [smem:$0x3FA9]  }
0x39: {  	_ = 	snop;
	(pc) =	sbr.ind lr, $3  }
0x3a: {  	_ = 	snop  }
0x3b: {  	_ = 	snop  }
0x3c: {  	p2 =	seq.s32 s10, $0x1;
	s10 =	sld [smem:$0x3FA8]  }
0x3d: {  	_ =	shalt  }
0x3e: {  	_ =	shalt  }
0x3f: {  	_ =	shalt  }
0x40: {  	_ =	shalt  }
0x41: {  	_ =	shalt  }
0x42: {  	_ =	shalt  }
0x43: {  	_ =	shalt  }
0x44: {  	_ =	shalt  }
0x45: {  	_ =	shalt  }
0x46: {  	_ =	shalt  }
0x47: {  	_ =	shalt  }
0x48: {  	_ =	shalt  }
0x49: {  	_ =	shalt  }
0x4a: {  	_ =	shalt  }
0x4b: {  	_ =	shalt  }
0x4c: {  	_ =	shalt  }
0x4d: {  	_ =	shalt  }
0x4e: {  	_ =	shalt  }
0x4f: {  	_ =	shalt  }
0x50: {  	_ =	shalt  }
0x51: {  	_ =	shalt  }
0x52: {  	_ =	shalt  }
0x53: {  	_ =	shalt  }
0x54: {  	_ =	shalt  }
0x55: {  	_ =	shalt  }
0x56: {  	_ =	shalt  }
0x57: {  	_ =	shalt  }
0x58: {  	_ =	shalt  }
0x59: {  	_ =	shalt  }
0x5a: {  	_ =	shalt  }
0x5b: {  	_ =	shalt  }
0x5c: {  	_ =	shalt  }
0x5d: {  	_ =	shalt  }
0x5e: {  	_ =	shalt  }
0x5f: {  	_ =	shalt  }
0x60: {  	_ =	shalt  }
0x61: {  	_ =	shalt  }
0x62: {  	_ =	shalt  }
0x63: {  	_ =	shalt  }
0x64: {  	_ =	shalt  }
0x65: {  	_ =	shalt  }
0x66: {  	_ =	shalt  }
0x67: {  	_ =	shalt  }
0x68: {  	_ =	shalt  }
0x69: {  	_ =	shalt  }
0x6a: {  	_ =	shalt  }
0x6b: {  	_ =	shalt  }
0x6c: {  	_ =	shalt  }
0x6d: {  	_ =	shalt  }
0x6e: {  	_ =	shalt  }
0x6f: {  	_ =	shalt  }
0x70: {  	_ =	shalt  }
0x71: {  	_ =	shalt  }
0x72: {  	_ =	shalt  }
0x73: {  	_ =	shalt  }
0x74: {  	_ =	shalt  }
0x75: {  	_ =	shalt  }
0x76: {  	_ =	shalt  }
0x77: {  	_ =	shalt  }
0x78: {  	_ =	shalt  }
0x79: {  	_ =	shalt  }
0x7a: {  	_ =	shalt  }
0x7b: {  	_ =	shalt  }
0x7c: {  	_ =	shalt  }
0x7d: {  	_ =	shalt  }
0x7e: {  	_ =	shalt  }
0x7f: {  	_ =	shalt  }
0x80: {  	_ =	shalt  }
0x81: {  	_ =	shalt  }
0x82: {  	_ =	shalt  }
0x83: {  	_ =	shalt  }
0x84: {  	_ =	shalt  }
0x85: {  	_ =	shalt  }
0x86: {  	_ =	shalt  }
0x87: {  	_ =	shalt  }
.Lfunc_end0:
.L_simem_size_0:
called_computation_lowered:
.L_overlay_start_0:
0x88: {  	s0 =	sld [smem:$0x3FD9]  }
0x89: {  	s1 =	sld [smem:$0x3FFE];
	_ =	sdelay $0x3  }
0x8a: {  	s0 =	sadd.s32 s1, s0  }
0x8b: {  	[smem:$0x3FB4] =	sst s0  }
0x8c: {  	_ = 	snop  }
0x8d: {  	s0 =	sld [smem:$0x3FC9]  }
0x8e: {  	s4 =	sld [smem:$0x3FC8]  }
0x8f: {  	s30 =	sld [smem:$0x3FC5]  }
0x90: {  	s5 =	sld [smem:$0x3FC4]  }
0x91: {  	s2 =	sld [smem:$0x3FC1]  }
0x92: {  	s6 =	sld [smem:$0x3FC0]  }
0x93: {  	s3 =	sld [smem:$0x3FBD]  }
0x94: {  	s7 =	sld [smem:$0x3FD0]  }
0x95: {  	s8 =	sld [smem:$0x3FBC]  }
0x96: {  	s9 =	sld [smem:$0x3FB9]  }
0x97: {  	s11 =	simm.s32 $0xA;
	s12 =	simm.s32 $0x10;
	s10 =	sld [smem:$0x3FB8]  }
0x98: {  	[smem:s12], [sflag:s11] =	dma.local [hbm:s7], $0x1  }
0x99: {  	_ =	swait.eq [sflag:s11], $0x1  }
0x9a: {  	[sflag:s11] =	ssyncset.done $0x0  }
0x9b: {  	[sflag:s11] =	ssyncadd.s32 $0xFFFFFFFF  }
0x9c: {  	s31 =	sld [smem:$0x14];
	(tm) =	ssettm $0x1  }
0x9d: {  	s16 =	sld [smem:$0x3FFB];
	_ =	sdelay $0x3  }
0x9e: {  	_ =	strace s16  }
0x9f: {  	s11 =	sld [smem:$0x3FFC];
	_ =	sdelay $0x3  }
0xa0: {  	_ =	strace s11  }
0xa1: {  	s11 =	sld [smem:$0x3FFD];
	_ =	sdelay $0x3  }
0xa2: {  	_ =	strace s11  }
0xa3: {  	_ =	strace $0x8FFFFFFF  }
0xa4: {  	s17 =	sld [smem:$0x3FDB];
	_ =	sdelay $0x1  }
0xa5: {  	s18 =	simm.s32 $_scs_section_size  }
0xa6: {  	s13 =	simm.s32 $_size__tile_overlayer_lowered;
	s14 =	simm.s32 $_tile_overlayer_lowered  }
0xa7: {  	s21 =	simm.s32 $0x1BFF;
	s20 =	sshll.u32 s14, $0x1;
	s11 =	sadd.s32 s18, s17  }
0xa8: {  	s15 =	simm.s32 $0x0;
	s19 =	sshll.u32 s13, $0x1;
	s13 =	sadd.s32 s20, s11  }
0xa9: {  	[timem:s15], [sflag:s21] =	dma.local [hbm:s13], s19  }
0xaa: {  	_ =	swait.ge [sflag:s21], s19  }
0xab: {  	s12 =	ssub.s32 $0x0, s19;
	[sflag:s21] =	ssyncset.done $0x0  }
0xac: {  	[sflag:s21] =	ssyncadd.s32 s12;
	_ =	sdelay $0x1  }
0xad: {  	s22 =	simm.s32 $0x1B8B  }
0xae: {  	_ =	swait.ge [sflag:s22], $0x1  }
0xaf: {  	[sflag:s22] =	ssyncset.done $0x0  }
0xb0: {  	s23 =	simm.s32 $0x1B8E;
	[sflag:s22] =	ssyncadd.s32 $0xFFFFFFFF  }
0xb1: {  	s24 =	simm.s32 $execute0_lowered;
	[smem:$0x3FD2] =	sst s23  }
0xb2: {  	s12 =	sshll.u32 s24, $0x1;
	_ =	strace $0x80000046;
	[dreg:$0x1] =	wrdreg $0xFFFFFFFF  }
0xb3: {  	s25 =	simm.s32 $_size_execute0_lowered;
	s11 =	sadd.s32 s11, s12;
	[dreg:$0x0] =	wrdreg $0x0  }
0xb4: {  	s12 =	sshll.u32 s25, $0x1;
	[dreg:$0x2] =	wrdreg s11  }
0xb5: {  	[dreg:$0x3] =	wrdreg s12  }
0xb6: {  	[dreg:$0x4] =	wrdreg $0xC0  }
0xb7: {  	_ =	task [dreg:s15], $0x5FFFF  }
0xb8: {  	[dreg:$0x1] =	wrdreg $0xFFFFFFFF  }
0xb9: {  	[dreg:$0x0] =	wrdreg $0x60  }
0xba: {  	[dreg:$0x2] =	wrdreg s4  }
0xbb: {  	[dreg:$0x3] =	wrdreg s5  }
0xbc: {  	[dreg:$0x4] =	wrdreg s6  }
0xbd: {  	[dreg:$0x5] =	wrdreg s8  }
0xbe: {  	[dreg:$0x6] =	wrdreg s10  }
0xbf: {  	[dreg:$0x7] =	wrdreg s0  }
0xc0: {  	[dreg:$0x8] =	wrdreg s30  }
0xc1: {  	[dreg:$0x9] =	wrdreg s2  }
0xc2: {  	[dreg:$0xa] =	wrdreg s3  }
0xc3: {  	[dreg:$0xb] =	wrdreg s9  }
0xc4: {  	[dreg:$0xc] =	wrdreg s31  }
0xc5: {  	[dreg:$0xd] =	wrdreg $0x9  }
0xc6: {  	_ =	task.clear_ibuf [dreg:s15], $0xEFFFF;
	_ =	strace $0x90000046  }
0xc7: {  	s26 =	simm.s32 $0x9;
	_ =	strace $0x80000048  }
0xc8: {  	_ =	swait.ge [sflag:s26], $0x1  }
0xc9: {  	[sflag:s26] =	ssyncadd.s32 $0xFFFFFFFF  }
0xca: {  	_ =	strace $0x90000048  }
0xcb: {  	_ =	sfence  }
0xcc: {  	s28 =	sld [smem:$0x0];
	_ =	sdelay $0x1  }
0xcd: {  	s29 =	srdreg.scid  }
0xce: {  	s30 =	sshll.u32 s29, $0xD;
	s31 =	sshrl.u32 s29, $0x2  }
0xcf: {  	s1 =	sand.u32 $0x1, s29;
	s2 =	sand.u32 $0x4000, s30;
	s0 =	sadd.s32 s31, s28  }
0xd0: {  	s1 =	sor.u32 s2, s1;
	s0 =	sshll.u32 s0, $0x11  }
0xd1: {  	s0 =	sor.u32 s0, s1  }
0xd2: {  	s0 =	sadd.s32 $0x8F2B, s0  }
0xd3: {  	[sflag:s0] =	ssyncadd.remote.s32 $0x1  }
0xd4: {  	_ =	sfence.sel $0xFFFF  }
0xd5: {  	[dreg:$0x0] =	wrdreg $0xFFFFFFFF;
	(pc) =	sbr.abs _section_cstart, $3  }
0xd6: {  	[dreg:$0x1] =	wrdreg $0xFFFFFFFF  }
0xd7: {  	_ =	task.clear_ibuf [dreg:s15], $0x2FFFF;
	_ =	strace $0x9FFFFFFF  }
0xd8: {  	(tm) =	ssettm $0x7FFFFFFF  }
0xd9: {  	_ =	shalt  }
tec
execute0_lowered:
.L_overlay_start_1:
0x0: {  	(tag) =	ssettag $0x1  }
0x1: {  	s5 =	rddreg [dreg:$0x0]  }
0x2: {  	s6 =	rddreg [dreg:$0x1]  }
0x3: {  	s7 =	rddreg [dreg:$0x2]  }
0x4: {  	s8 =	rddreg [dreg:$0x3]  }
0x5: {  	s9 =	rddreg [dreg:$0x4]  }
0x6: {  	s3 =	rddreg [dreg:$0x5]  }
0x7: {  	s10 =	rddreg [dreg:$0x6]  }
0x8: {  	s11 =	rddreg [dreg:$0x7]  }
0x9: {  	s12 =	rddreg [dreg:$0x8]  }
0xa: {  	s13 =	rddreg [dreg:$0x9]  }
0xb: {  	s4 =	rddreg [dreg:$0xa];
	s2 =	simm.s32 $0x0;
	s1 =	stileid.u32  }
0xc: {  	[smem:$0x7FF] =	sst s2;
	s14 =	sshll.u32 s1, $0x1  }
0xd: {  	s0 =	rddreg [dreg:$0xb];
	_ =	strace $0x80000047;
	s3 =	sadd.s32 s3, s14  }
0xe: {  	[tilespmem:s2], [sflag:$0x1] =	stream.linear.gather [hbm4b:s3+s2], $0x10, $0x38;
	[tilespmem:$0x2A80] =	vst v63  }
0xf: {  	s31 =	simm.s32 $0x80;
	s30 =	sadd.s32 s10, s14  }
0x10: {  	[tilespmem:s31], [sflag:$0x1] =	stream.linear.gather [hbm4b:s30+s2], $0x10, $0x38;
	[tilespmem:$0x2A80] =	vst v63  }
0x11: {  	s17 =	simm.s32 $0x100;
	s16 =	sadd.s32 s11, s14  }
0x12: {  	[tilespmem:s17], [sflag:$0x1] =	stream.linear.gather [hbm4b:s16+s2], $0x10, $0x38;
	[tilespmem:$0x2A80] =	vst v63  }
0x13: {  	s19 =	simm.s32 $0x180;
	s18 =	sadd.s32 s12, s14  }
0x14: {  	[tilespmem:s19], [sflag:$0x1] =	stream.linear.gather [hbm4b:s18+s2], $0x10, $0x38;
	[tilespmem:$0x2A80] =	vst v63  }
0x15: {  	s21 =	simm.s32 $0x200;
	s22 =	simm.s32 $0x1;
	s20 =	sadd.s32 s13, s14  }
0x16: {  	[tilespmem:s21], [sflag:$0x1] =	stream.linear.gather [hbm4b:s20+s2], $0x10, $0x38;
	[tilespmem:$0x2A80] =	vst v63  }
0x17: {  	_ =	swait.ge [sflag:s22], $0x10  }
0x18: {  	[sflag:s22] =	ssyncset.done $0x0  }
0x19: {  	[sflag:s22] =	ssyncadd.s32 $0xFFFFFFF0  }
0x1a: {  	_ =	swait.ge [sflag:s22], $0x10  }
0x1b: {  	[sflag:s22] =	ssyncset.done $0x0  }
0x1c: {  	[sflag:s22] =	ssyncadd.s32 $0xFFFFFFF0  }
0x1d: {  	_ =	swait.ge [sflag:s22], $0x10  }
0x1e: {  	[sflag:s22] =	ssyncset.done $0x0  }
0x1f: {  	[sflag:s22] =	ssyncadd.s32 $0xFFFFFFF0  }
0x20: {  	_ =	swait.ge [sflag:s22], $0x10  }
0x21: {  	[sflag:s22] =	ssyncset.done $0x0  }
0x22: {  	[sflag:s22] =	ssyncadd.s32 $0xFFFFFFF0  }
0x23: {  	_ =	swait.ge [sflag:s22], $0x10  }
0x24: {  	[sflag:s22] =	ssyncset.done $0x0  }
0x25: {  	s23 =	simm.s32 $0x10;
	s15 =	simm.s32 $0x280;
	[sflag:s22] =	ssyncadd.s32 $0xFFFFFFF0  }
0x26: {  	[tilespmem:s15], [sflag:$0x1] =	stream.indirect.gather [hbm4b:s5+s23], $0x80, s2, s23, $0xb8;
	[tilespmem:$0x2A80] =	vst v63  }
0x27: {  	s24 =	simm.s32 $0xA80  }
0x28: {  	[tilespmem:s24], [sflag:$0x1] =	stream.indirect.gather [hbm4b:s6+s23], $0x80, s31, s23, $0xb8;
	[tilespmem:$0x2A80] =	vst v63  }
0x29: {  	s25 =	simm.s32 $0x1280  }
0x2a: {  	[tilespmem:s25], [sflag:$0x1] =	stream.indirect.gather [hbm4b:s7+s23], $0x80, s17, s23, $0xb8;
	[tilespmem:$0x2A80] =	vst v63  }
0x2b: {  	s26 =	simm.s32 $0x1A80  }
0x2c: {  	[tilespmem:s26], [sflag:$0x1] =	stream.indirect.gather [hbm4b:s8+s23], $0x80, s19, s23, $0xb8;
	[tilespmem:$0x2A80] =	vst v63  }
0x2d: {  	s28 =	simm.s32 $0x2280  }
0x2e: {  	[tilespmem:s28], [sflag:$0x1] =	stream.indirect.gather [hbm4b:s9+s23], $0x80, s21, s23, $0xb8;
	[tilespmem:$0x2A80] =	vst v63  }
0x2f: {  	_ =	swait.ge [sflag:s22], $0x800  }
0x30: {  	[sflag:s22] =	ssyncset.done $0x0  }
0x31: {  	[sflag:s22] =	ssyncadd.s32 $0xFFFFF800  }
0x32: {  	_ =	swait.ge [sflag:s22], $0x800  }
0x33: {  	[sflag:s22] =	ssyncset.done $0x0  }
0x34: {  	[sflag:s22] =	ssyncadd.s32 $0xFFFFF800  }
0x35: {  	_ =	swait.ge [sflag:s22], $0x800  }
0x36: {  	[sflag:s22] =	ssyncset.done $0x0  }
0x37: {  	[sflag:s22] =	ssyncadd.s32 $0xFFFFF800  }
0x38: {  	_ =	swait.ge [sflag:s22], $0x800  }
0x39: {  	[sflag:s22] =	ssyncset.done $0x0  }
0x3a: {  	[sflag:s22] =	ssyncadd.s32 $0xFFFFF800  }
0x3b: {  	_ =	swait.ge [sflag:s22], $0x800  }
0x3c: {  	s29 =	sshll.u32 s1, $0x8;
	[sflag:s22] =	ssyncset.done $0x0  }
0x3d: {  	s4 =	sadd.s32 s4, s29;
	[sflag:s22] =	ssyncadd.s32 $0xFFFFF800  }
0x3e: {  	[hbm4b:s4+s2] =	stream.linear.scatter [tilespmem:s15], [sflag:$0x1], $0x800, $0x38;
	[tilespmem:$0x2A80] =	vst v63  }
0x3f: {  	s9 =	sadd.s32 $0x1000, s4  }
0x40: {  	[hbm4b:s9+s2] =	stream.linear.scatter [tilespmem:s24], [sflag:$0x1], $0x800, $0x38;
	[tilespmem:$0x2A80] =	vst v63  }
0x41: {  	s30 =	sadd.s32 $0x2000, s4  }
0x42: {  	[hbm4b:s30+s2] =	stream.linear.scatter [tilespmem:s25], [sflag:$0x1], $0x800, $0x38;
	[tilespmem:$0x2A80] =	vst v63  }
0x43: {  	s31 =	sadd.s32 $0x3000, s4  }
0x44: {  	[hbm4b:s31+s2] =	stream.linear.scatter [tilespmem:s26], [sflag:$0x1], $0x800, $0x38;
	[tilespmem:$0x2A80] =	vst v63  }
0x45: {  	s4 =	sadd.s32 $0x4000, s4  }
0x46: {  	[hbm4b:s4+s2] =	stream.linear.scatter [tilespmem:s28], [sflag:$0x1], $0x800, $0x38;
	[tilespmem:$0x2A80] =	vst v63  }
0x47: {  	_ =	swait.ge [sflag:s22], $0x800  }
0x48: {  	[sflag:s22] =	ssyncset.done $0x0  }
0x49: {  	[sflag:s22] =	ssyncadd.s32 $0xFFFFF800  }
0x4a: {  	_ =	swait.ge [sflag:s22], $0x800  }
0x4b: {  	[sflag:s22] =	ssyncset.done $0x0  }
0x4c: {  	[sflag:s22] =	ssyncadd.s32 $0xFFFFF800  }
0x4d: {  	_ =	swait.ge [sflag:s22], $0x800  }
0x4e: {  	[sflag:s22] =	ssyncset.done $0x0  }
0x4f: {  	[sflag:s22] =	ssyncadd.s32 $0xFFFFF800  }
0x50: {  	_ =	swait.ge [sflag:s22], $0x800  }
0x51: {  	[sflag:s22] =	ssyncset.done $0x0  }
0x52: {  	[sflag:s22] =	ssyncadd.s32 $0xFFFFF800  }
0x53: {  	_ =	swait.ge [sflag:s22], $0x800  }
0x54: {  	[sflag:s22] =	ssyncset.done $0x0  }
0x55: {  	[sflag:s22] =	ssyncadd.s32 $0xFFFFF800  }
0x56: {  	_ =	sfence.sel $0x180000  }
0x57: {  	[bflag:$0x0] =	sbarrier.arrive $0xFFFF  }
0x58: {  	p0 =	sne.s32 s1, $0x0;
	_ =	strace $0x90000047  }
0x59: {  	s0 =	sadd.s32 @!p0 $0x100000, s0;
	[bflag:$0x2] =	sbarrier.arrive $0xFFFF  }
0x5a: {  	[sflag:s0] =	ssyncadd.tile.s32 @!p0 $0x1;
	_ =	shalt  }
.Lfunc_end2:
_tile_overlayer_lowered:
.L_overlay_start_2:
0x5b: {  	(tag) =	ssettag $0x2  }
0x5c: {  	s0 =	rddreg [dreg:$0x0];
	s2 =	stileid.u32  }
0x5d: {  	s1 =	rddreg [dreg:$0x1];
	p0 =	sne.s32 s2, $0x0  }
0x5e: {  	s3 =	rddreg [dreg:$0x2];
	[bflag:$0x3] =	sbarrier.arrive $0xFFFF;
	s2 =	simm.s32 @!p0 $0x1C02  }
0x5f: {  	[timem:s3], [sflag:s2] =	dma.local @!p0 [hbm:s0], s1  }
0x60: {  	s0 =	simm.s32 @!p0 $0x2  }
0x61: {  	_ =	swait.ge @!p0 [sflag:s0], s1  }
0x62: {  	s1 =	ssub.s32 @!p0 $0x0, s1;
	[sflag:s0] =	ssyncset.done @!p0 $0x0  }
0x63: {  	[sflag:s0] =	ssyncadd.s32 @!p0 s1  }
0x64: {  	[bflag:$0x3] =	sbarrier.arrive $0xFFFF  }
0x65: {  	_ =	shalt  }

</sc_bundles>
